<compile_context>
chip_gen: v7x
topology: tpu7x:2x2x1
jax: 0.10.2.dev20260603
libtpu: 0.0.44.dev20260713+nightly
codegen_flags: <defaults>
</compile_context>

<pallas_src>
import functools

import jax
import jax.numpy as jnp
from jax import lax
from jax.experimental import pallas as pl
from jax.experimental.pallas import tpu as pltpu
from jax.experimental.pallas import tpu_sc as plsc

_T = 64
_U = 16
_D = 1024
_NEG = -1e30


def _lse_body(x_ref, o_lse):
    x = x_ref[0]
    m = jnp.max(x, axis=2)
    e = jnp.exp(x - m[:, :, None])
    o_lse[:] = m + jnp.log(jnp.sum(e, axis=2))


def _tc_lse(logits):
    return pl.pallas_call(
        _lse_body,
        grid=(2,),
        out_shape=jax.ShapeDtypeStruct((_T, _U), jnp.float32),
        in_specs=[pl.BlockSpec((1, _T // 2, _U, _D), lambda i: (0, i, 0, 0))],
        out_specs=pl.BlockSpec((_T // 2, _U), lambda i: (i, 0)),
    )(logits)


_MESH = plsc.VectorSubcoreMesh(core_axis_name="c", subcore_axis_name="s")


@functools.partial(
    pl.kernel,
    mesh=_MESH,
    out_type=[
        jax.ShapeDtypeStruct((_T,), jnp.float32),
        jax.ShapeDtypeStruct((_T,), jnp.float32),
        jax.ShapeDtypeStruct((_T,), jnp.float32),
    ],
    compiler_params=pltpu.CompilerParams(needs_layout_passes=False),
    scratch_types=[
        pltpu.VMEM((_U,), jnp.int32),
        pltpu.VMEM((_U,), jnp.int32),
        pltpu.VMEM((2 * _T * _U,), jnp.int32),
        pltpu.VMEM((2 * _T * _U,), jnp.float32),
        pltpu.VMEM((_T * _U,), jnp.float32),
        pltpu.VMEM((_T * _U,), jnp.float32),
        pltpu.VMEM((_T * _U,), jnp.float32),
        pltpu.VMEM((_T, _U), jnp.float32),
        pltpu.VMEM((_T, _U), jnp.float32),
        pltpu.VMEM((_T, _U), jnp.float32),
        pltpu.VMEM((_U,), jnp.float32),
        pltpu.VMEM((_U,), jnp.float32),
        pltpu.VMEM((_T,), jnp.float32),
        pltpu.VMEM((_T,), jnp.float32),
        pltpu.VMEM((_T,), jnp.float32),
        pltpu.SemaphoreType.DMA,
    ],
)
def _sc_gather_dp(
    logits_hbm, lse_hbm, tgt_hbm, tl_hbm,
    o_la, o_st, o_tot,
    tgt_v, tl_v, idx, raw, lse_v, gbuf, blbuf,
    laebuf, stbuf, totbuf, st_s, tot_s,
    stage_la, stage_st, stage_tot, sem,
):
    wid = lax.axis_index("s") * 2 + lax.axis_index("c")

    @pl.when(wid == 0)
    def _():
        lane = lax.iota(jnp.int32, _U)
        lanef = lane.astype(jnp.float32)

        pltpu.sync_copy(tgt_hbm, tgt_v)
        pltpu.sync_copy(tl_hbm, tl_v)
        pltpu.sync_copy(lse_hbm, lse_v)
        tgt_vec = tgt_v[...]
        tl_vec = tl_v[...]

        def build(i, _):
            r = (lane + i * _U) * _D
            idx[pl.ds(i * _U, _U)] = r + tgt_vec
            idx[pl.ds(_T * _U + i * _U, _U)] = r
            return 0

        lax.fori_loop(0, _T, build, 0, unroll=8)

        pltpu.async_copy(logits_hbm.at[idx], raw, sem).wait()

        def pre(t, _):
            lse_row = lse_v[pl.ds(t * _U, _U)]
            g_row = raw[pl.ds(t * _U, _U)] - lse_row
            gi = plsc.cumsum(g_row)
            gbuf[pl.ds(t * _U, _U)] = gi - g_row
            blbuf[pl.ds(t * _U, _U)] = raw[pl.ds(_T * _U + t * _U, _U)] - lse_row
            return 0

        lax.fori_loop(0, _T, pre, 0, unroll=8)

        def row(t, carry):
            la_p, st_p, tot_p, bl_p = carry
            bl_row = blbuf[pl.ds(t * _U, _U)]
            G = gbuf[pl.ds(t * _U, _U)]
            fl = la_p + bl_p
            fl0 = jnp.where(lane == 0, 0.0, fl)
            v = fl0 - G
            pm = plsc.cummax(v)
            la = G + pm
            rec = v >= pm
            jidx = jnp.where(rec, lane, -1)
            js = plsc.cummax(jidx)
            st_s[...] = st_p
            tot_s[...] = tot_p
            stg = plsc.load_gather(st_s, [js])
            totg = plsc.load_gather(tot_s, [js])
            tf = t.astype(jnp.float32)
            j0 = js == 0
            jsf = js.astype(jnp.float32)
            st = jnp.where(j0, tf, stg)
            tot = jnp.where(j0, 1.0, totg + 1.0) + (lanef - jsf)
            laebuf[t] = la + bl_row
            stbuf[t] = st
            totbuf[t] = tot
            return (la, st, tot, bl_row)

        init = (
            jnp.full((_U,), _NEG, jnp.float32),
            jnp.zeros((_U,), jnp.float32),
            jnp.zeros((_U,), jnp.float32),
            jnp.zeros((_U,), jnp.float32),
        )
        lax.fori_loop(0, _T, row, init, unroll=8)

        for c in range(_T // _U):
            rowidx = lane + c * _U
            stage_la[pl.ds(c * _U, _U)] = plsc.load_gather(laebuf, [rowidx, tl_vec])
            stage_st[pl.ds(c * _U, _U)] = plsc.load_gather(stbuf, [rowidx, tl_vec])
            stage_tot[pl.ds(c * _U, _U)] = plsc.load_gather(totbuf, [rowidx, tl_vec]) + 1.0

        pltpu.sync_copy(stage_la, o_la)
        pltpu.sync_copy(stage_st, o_st)
        pltpu.sync_copy(stage_tot, o_tot)


def kernel(logits, targets, logit_lens, target_lens):
    lse = _tc_lse(logits).reshape(_T * _U)
    logits_flat = logits.reshape(_T * _U * _D)
    tgt = targets.reshape(_U).astype(jnp.int32)
    tl16 = jnp.broadcast_to(target_lens.astype(jnp.int32), (_U,))
    la_each, st_each, tot_each = _sc_gather_dp(logits_flat, lse, tgt, tl16)
    return (la_each[_T - 1], la_each, st_each, tot_each)

# --- scband reference (transcript-rebuilt; emitter-appended) ---
"""Pipeline reference for scband-rnntprefix-search-67310727463186 (READ-ONLY COPY).

The authoritative reference and input builder live on the scoring server;
editing this copy changes nothing except your own understanding.
"""

import jax, jax.numpy as jnp
import numpy as np

BLANK = 0


def _dp(lp, tgt):
    # lp: (T, U, D) log-softmaxed logits; tgt: (U,) int32 target labels
    T, U, D = lp.shape
    # gath[t, u] = lp[t, u, tgt[u]]  (used as logits[0, t, u-1, targets[u-1]])
    gath = lp[:, jnp.arange(U), tgt]            # (T, U)
    blank_lp = lp[:, :, BLANK]                  # (T, U)
    # t == 0 row: log_alpha[0,0,u] = log_alpha[0,0,u-1] + lp[0, u-1, tgt[u-1]]
    la0 = jnp.concatenate([jnp.zeros((1,), dtype=lp.dtype), jnp.cumsum(gath[0, :U - 1])])
    st0 = jnp.zeros((U,), dtype=lp.dtype)
    tot0 = jnp.arange(1, U + 1, dtype=lp.dtype)

    def row_step(carry, xs):
        prev_la, prev_st, prev_tot = carry      # row t-1
        bl_prev, g_cur, t_idx = xs              # blank_lp[t-1,:], gath[t,:], t
        from_left = prev_la + bl_prev           # (U,)
        tf = t_idx.astype(lp.dtype)

        def u_step(c, uin):
            la_dm1, st_dm1, tot_dm1 = c         # values at (t, u-1)
            fl, g, pst, ptot = uin              # from_left[u], gath[t,u-1], start[t-1,u], total[t-1,u]
            fd = la_dm1 + g
            cond = fl >= fd
            la_u = jnp.where(cond, fl, fd)
            st_u = jnp.where(cond, pst, st_dm1)
            tot_u = jnp.where(cond, ptot, tot_dm1) + 1.0
            return (la_u, st_u, tot_u), (la_u, st_u, tot_u)

        init = (jnp.zeros((), lp.dtype), tf, jnp.ones((), lp.dtype))  # u == 0: la=0, start=t, total=1
        uin = (from_left[1:], g_cur[:U - 1], prev_st[1:], prev_tot[1:])
        _, (la_r, st_r, tot_r) = jax.lax.scan(u_step, init, uin)
        la = jnp.concatenate([jnp.zeros((1,), lp.dtype), la_r])
        st = jnp.concatenate([tf[None], st_r])
        tot = jnp.concatenate([jnp.ones((1,), lp.dtype), tot_r])
        return (la, st, tot), (la, st, tot)

    ts = jnp.arange(1, T)
    _, (la_rows, st_rows, tot_rows) = jax.lax.scan(row_step, (la0, st0, tot0), (blank_lp[:T - 1], gath[1:], ts))
    la_all = jnp.concatenate([la0[None], la_rows], axis=0)    # (T, U)
    st_all = jnp.concatenate([st0[None], st_rows], axis=0)
    tot_all = jnp.concatenate([tot0[None], tot_rows], axis=0)
    return la_all, st_all, tot_all, blank_lp


def setup_inputs(seed: int = 0) -> dict:
    key = jax.random.key(seed)
    k1, k2 = jax.random.split(key)
    B, T, U, D = 1, 64, 16, 1024
    logits = jax.random.normal(k1, (B, T, U, D), dtype=jnp.float32)
    targets = jax.random.randint(k2, (B, U), 1, D)          # labels, avoid blank=0
    logit_lens = jnp.array([T], dtype=jnp.int32)
    target_lens = jnp.array([U - 1], dtype=jnp.int32)       # index into U dim, must be < U
    return {"logits": logits, "targets": targets, "logit_lens": logit_lens, "target_lens": target_lens}


def reference(logits, targets, logit_lens, target_lens):
    lp = jax.nn.log_softmax(logits, axis=-1)[0]   # (T, U, D); B must be 1
    tgt = targets[0].astype(jnp.int32)
    la_all, st_all, tot_all, blank_lp = _dp(lp, tgt)
    tl = target_lens[0]
    la_each = la_all[:, tl] + blank_lp[:, tl]     # per-t output log-prob ending with blank
    st_each = st_all[:, tl]
    tot_each = tot_all[:, tl] + 1.0
    log_prob = la_each[-1]
    return (log_prob, la_each, st_each, tot_each)

if __name__ == "__main__":
    import jax
    _d = setup_inputs()
    print(jax.jit(kernel)(*tuple(_d.values())))

</pallas_src>

<mosaic_0001>
#map = affine_map<(d0, d1) -> (0)>
module attributes {stable_mosaic.version = 14 : i64} {
  func.func @_sc_gather_dp(%arg0: i32, %arg1: i32, %arg2: memref<1048576xf32, #tpu.memory_space<hbm>>, %arg3: memref<1024xf32, #tpu.memory_space<hbm>>, %arg4: memref<16xi32, #tpu.memory_space<hbm>>, %arg5: memref<16xi32, #tpu.memory_space<hbm>>, %arg6: memref<64xf32, #tpu.memory_space<hbm>>, %arg7: memref<64xf32, #tpu.memory_space<hbm>>, %arg8: memref<64xf32, #tpu.memory_space<hbm>>, %arg9: memref<16xi32, #tpu.memory_space<vmem>>, %arg10: memref<16xi32, #tpu.memory_space<vmem>>, %arg11: memref<2048xi32, #tpu.memory_space<vmem>>, %arg12: memref<2048xf32, #tpu.memory_space<vmem>>, %arg13: memref<1024xf32, #tpu.memory_space<vmem>>, %arg14: memref<1024xf32, #tpu.memory_space<vmem>>, %arg15: memref<1024xf32, #tpu.memory_space<vmem>>, %arg16: memref<64x16xf32, #tpu.memory_space<vmem>>, %arg17: memref<64x16xf32, #tpu.memory_space<vmem>>, %arg18: memref<64x16xf32, #tpu.memory_space<vmem>>, %arg19: memref<16xf32, #tpu.memory_space<vmem>>, %arg20: memref<16xf32, #tpu.memory_space<vmem>>, %arg21: memref<64xf32, #tpu.memory_space<vmem>>, %arg22: memref<64xf32, #tpu.memory_space<vmem>>, %arg23: memref<64xf32, #tpu.memory_space<vmem>>, %arg24: memref<!tpu.dma_semaphore, #tpu.memory_space<semaphore_mem>>) attributes {dimension_semantics = [#tpu.dimension_semantics<core_parallel>, #tpu.dimension_semantics<subcore_parallel>], iteration_bounds = array<i64: 2, 16>, scalar_prefetch = 0 : i64, scratch_operands = 16 : i64, tpu.core_type = #tpu.core_type<sc_vector_subcore>, window_params = [{transform_indices = #map}, {transform_indices = #map}, {transform_indices = #map}, {transform_indices = #map}, {transform_indices = #map}, {transform_indices = #map}, {transform_indices = #map}]} {
    %mul3A = arith.constant 2 : i32
    %mul3A_0 = arith.muli %arg1, %mul3A : i32
    %add3A = arith.addi %mul3A_0, %arg0 : i32
    %eq3A = arith.constant 0 : i32
    %eq3A_1 = arith.cmpi eq, %add3A, %eq3A : i32
    %convert_element_type3A = arith.extui %eq3A_1 : i1 to i32
    %cond3A = arith.constant 0 : i32
    %cond3A_2 = arith.cmpi ne, %convert_element_type3A, %cond3A : i32
    scf.if %cond3A_2 {
      %iota3A = tpu.iota {dimensions = array<i32: 0>} : vector<16xi32>
      %convert_element_type3A_3 = arith.sitofp %iota3A : vector<16xi32> to vector<16xf32>
      "tpu.region"() ({
        %run_scoped3A = tpu.sem_alloc : memref<!tpu.dma_semaphore, #tpu.memory_space<semaphore_mem>>
        tpu.enqueue_dma source(%arg4 : memref<16xi32, #tpu.memory_space<hbm>>) target(%arg9 : memref<16xi32, #tpu.memory_space<vmem>>) target_semaphore(%run_scoped3A : memref<!tpu.dma_semaphore, #tpu.memory_space<semaphore_mem>>)
        tpu.wait_dma2 semaphore(%run_scoped3A : memref<!tpu.dma_semaphore, #tpu.memory_space<semaphore_mem>>) src(%arg4 : memref<16xi32, #tpu.memory_space<hbm>>) dst(%arg9 : memref<16xi32, #tpu.memory_space<vmem>>)
        tpu.yield
      }) : () -> ()
      "tpu.region"() ({
        %run_scoped3A = tpu.sem_alloc : memref<!tpu.dma_semaphore, #tpu.memory_space<semaphore_mem>>
        tpu.enqueue_dma source(%arg5 : memref<16xi32, #tpu.memory_space<hbm>>) target(%arg10 : memref<16xi32, #tpu.memory_space<vmem>>) target_semaphore(%run_scoped3A : memref<!tpu.dma_semaphore, #tpu.memory_space<semaphore_mem>>)
        tpu.wait_dma2 semaphore(%run_scoped3A : memref<!tpu.dma_semaphore, #tpu.memory_space<semaphore_mem>>) src(%arg5 : memref<16xi32, #tpu.memory_space<hbm>>) dst(%arg10 : memref<16xi32, #tpu.memory_space<vmem>>)
        tpu.yield
      }) : () -> ()
      "tpu.region"() ({
        %run_scoped3A = tpu.sem_alloc : memref<!tpu.dma_semaphore, #tpu.memory_space<semaphore_mem>>
        tpu.enqueue_dma source(%arg3 : memref<1024xf32, #tpu.memory_space<hbm>>) target(%arg13 : memref<1024xf32, #tpu.memory_space<vmem>>) target_semaphore(%run_scoped3A : memref<!tpu.dma_semaphore, #tpu.memory_space<semaphore_mem>>)
        tpu.wait_dma2 semaphore(%run_scoped3A : memref<!tpu.dma_semaphore, #tpu.memory_space<semaphore_mem>>) src(%arg3 : memref<1024xf32, #tpu.memory_space<hbm>>) dst(%arg13 : memref<1024xf32, #tpu.memory_space<vmem>>)
        tpu.yield
      }) : () -> ()
      %get3A = arith.constant 0 : index
      %get3A_4 = tpu.vector_load %arg9[%get3A] {strides = array<i32>} : memref<16xi32, #tpu.memory_space<vmem>>, vector<16xi32>,
      %get3A_5 = arith.constant 0 : index
      %get3A_6 = tpu.vector_load %arg10[%get3A_5] {strides = array<i32>} : memref<16xi32, #tpu.memory_space<vmem>>, vector<16xi32>,
      %scan3A = arith.constant 0 : i32
      %scan3A_7 = arith.constant 0 : i32
      %scan3A_8 = arith.constant 64 : i32
      %scan3A_9 = arith.addi %scan3A_7, %scan3A_8 : i32
      %scan3A_10 = arith.constant 8 : i32
      %scan3A_11 = scf.for %scan3A_93 = %scan3A_7 to %scan3A_9 step %scan3A_10 iter_args(%scan3A_94 = %scan3A) -> (i32)  : i32 {
        %mul3A_95 = arith.constant 16 : i32
        %mul3A_96 = arith.muli %scan3A_93, %mul3A_95 : i32
        %add3A_97 = vector.broadcast %mul3A_96 : i32 to vector<16xi32>
        %add3A_98 = arith.addi %iota3A, %add3A_97 : vector<16xi32>
        %mul3A_99 = arith.constant 1024 : i32
        %mul3A_100 = vector.broadcast %mul3A_99 : i32 to vector<16xi32>
        %mul3A_101 = arith.muli %add3A_98, %mul3A_100 : vector<16xi32>
        %add3A_102 = arith.addi %mul3A_101, %get3A_4 : vector<16xi32>
        %mul3A_103 = arith.constant 16 : i32
        %mul3A_104 = arith.muli %scan3A_93, %mul3A_103 : i32
        %swap3A_105 = arith.index_cast %mul3A_104 : i32 to index
        %swap3A_106 = tpu.vector_load %arg11[%swap3A_105] {strides = array<i32>} : memref<2048xi32, #tpu.memory_space<vmem>>, vector<16xi32>,
        tpu.vector_store %arg11[%swap3A_105], %add3A_102 {strides = array<i32>} : memref<2048xi32, #tpu.memory_space<vmem>>, vector<16xi32>,
        %mul3A_107 = arith.constant 16 : i32
        %mul3A_108 = arith.muli %scan3A_93, %mul3A_107 : i32
        %add3A_109 = arith.constant 1024 : i32
        %add3A_110 = arith.addi %add3A_109, %mul3A_108 : i32
        %swap3A_111 = arith.index_cast %add3A_110 : i32 to index
        %swap3A_112 = tpu.vector_load %arg11[%swap3A_111] {strides = array<i32>} : memref<2048xi32, #tpu.memory_space<vmem>>, vector<16xi32>,
        tpu.vector_store %arg11[%swap3A_111], %mul3A_101 {strides = array<i32>} : memref<2048xi32, #tpu.memory_space<vmem>>, vector<16xi32>,
        %scan3A_113 = arith.constant 0 : i32
        %scan3A_114 = arith.constant 1 : i32
        %scan3A_115 = arith.addi %scan3A_93, %scan3A_114 : i32
        %mul3A_116 = arith.constant 16 : i32
        %mul3A_117 = arith.muli %scan3A_115, %mul3A_116 : i32
        %add3A_118 = vector.broadcast %mul3A_117 : i32 to vector<16xi32>
        %add3A_119 = arith.addi %iota3A, %add3A_118 : vector<16xi32>
        %mul3A_120 = arith.constant 1024 : i32
        %mul3A_121 = vector.broadcast %mul3A_120 : i32 to vector<16xi32>
        %mul3A_122 = arith.muli %add3A_119, %mul3A_121 : vector<16xi32>
        %add3A_123 = arith.addi %mul3A_122, %get3A_4 : vector<16xi32>
        %mul3A_124 = arith.constant 16 : i32
        %mul3A_125 = arith.muli %scan3A_115, %mul3A_124 : i32
        %swap3A_126 = arith.index_cast %mul3A_125 : i32 to index
        %swap3A_127 = tpu.vector_load %arg11[%swap3A_126] {strides = array<i32>} : memref<2048xi32, #tpu.memory_space<vmem>>, vector<16xi32>,
        tpu.vector_store %arg11[%swap3A_126], %add3A_123 {strides = array<i32>} : memref<2048xi32, #tpu.memory_space<vmem>>, vector<16xi32>,
        %mul3A_128 = arith.constant 16 : i32
        %mul3A_129 = arith.muli %scan3A_115, %mul3A_128 : i32
        %add3A_130 = arith.constant 1024 : i32
        %add3A_131 = arith.addi %add3A_130, %mul3A_129 : i32
        %swap3A_132 = arith.index_cast %add3A_131 : i32 to index
        %swap3A_133 = tpu.vector_load %arg11[%swap3A_132] {strides = array<i32>} : memref<2048xi32, #tpu.memory_space<vmem>>, vector<16xi32>,
        tpu.vector_store %arg11[%swap3A_132], %mul3A_122 {strides = array<i32>} : memref<2048xi32, #tpu.memory_space<vmem>>, vector<16xi32>,
        %scan3A_134 = arith.constant 0 : i32
        %scan3A_135 = arith.constant 2 : i32
        %scan3A_136 = arith.addi %scan3A_93, %scan3A_135 : i32
        %mul3A_137 = arith.constant 16 : i32
        %mul3A_138 = arith.muli %scan3A_136, %mul3A_137 : i32
        %add3A_139 = vector.broadcast %mul3A_138 : i32 to vector<16xi32>
        %add3A_140 = arith.addi %iota3A, %add3A_139 : vector<16xi32>
        %mul3A_141 = arith.constant 1024 : i32
        %mul3A_142 = vector.broadcast %mul3A_141 : i32 to vector<16xi32>
        %mul3A_143 = arith.muli %add3A_140, %mul3A_142 : vector<16xi32>
        %add3A_144 = arith.addi %mul3A_143, %get3A_4 : vector<16xi32>
        %mul3A_145 = arith.constant 16 : i32
        %mul3A_146 = arith.muli %scan3A_136, %mul3A_145 : i32
        %swap3A_147 = arith.index_cast %mul3A_146 : i32 to index
        %swap3A_148 = tpu.vector_load %arg11[%swap3A_147] {strides = array<i32>} : memref<2048xi32, #tpu.memory_space<vmem>>, vector<16xi32>,
        tpu.vector_store %arg11[%swap3A_147], %add3A_144 {strides = array<i32>} : memref<2048xi32, #tpu.memory_space<vmem>>, vector<16xi32>,
        %mul3A_149 = arith.constant 16 : i32
        %mul3A_150 = arith.muli %scan3A_136, %mul3A_149 : i32
        %add3A_151 = arith.constant 1024 : i32
        %add3A_152 = arith.addi %add3A_151, %mul3A_150 : i32
        %swap3A_153 = arith.index_cast %add3A_152 : i32 to index
        %swap3A_154 = tpu.vector_load %arg11[%swap3A_153] {strides = array<i32>} : memref<2048xi32, #tpu.memory_space<vmem>>, vector<16xi32>,
        tpu.vector_store %arg11[%swap3A_153], %mul3A_143 {strides = array<i32>} : memref<2048xi32, #tpu.memory_space<vmem>>, vector<16xi32>,
        %scan3A_155 = arith.constant 0 : i32
        %scan3A_156 = arith.constant 3 : i32
        %scan3A_157 = arith.addi %scan3A_93, %scan3A_156 : i32
        %mul3A_158 = arith.constant 16 : i32
        %mul3A_159 = arith.muli %scan3A_157, %mul3A_158 : i32
        %add3A_160 = vector.broadcast %mul3A_159 : i32 to vector<16xi32>
        %add3A_161 = arith.addi %iota3A, %add3A_160 : vector<16xi32>
        %mul3A_162 = arith.constant 1024 : i32
        %mul3A_163 = vector.broadcast %mul3A_162 : i32 to vector<16xi32>
        %mul3A_164 = arith.muli %add3A_161, %mul3A_163 : vector<16xi32>
        %add3A_165 = arith.addi %mul3A_164, %get3A_4 : vector<16xi32>
        %mul3A_166 = arith.constant 16 : i32
        %mul3A_167 = arith.muli %scan3A_157, %mul3A_166 : i32
        %swap3A_168 = arith.index_cast %mul3A_167 : i32 to index
        %swap3A_169 = tpu.vector_load %arg11[%swap3A_168] {strides = array<i32>} : memref<2048xi32, #tpu.memory_space<vmem>>, vector<16xi32>,
        tpu.vector_store %arg11[%swap3A_168], %add3A_165 {strides = array<i32>} : memref<2048xi32, #tpu.memory_space<vmem>>, vector<16xi32>,
        %mul3A_170 = arith.constant 16 : i32
        %mul3A_171 = arith.muli %scan3A_157, %mul3A_170 : i32
        %add3A_172 = arith.constant 1024 : i32
        %add3A_173 = arith.addi %add3A_172, %mul3A_171 : i32
        %swap3A_174 = arith.index_cast %add3A_173 : i32 to index
        %swap3A_175 = tpu.vector_load %arg11[%swap3A_174] {strides = array<i32>} : memref<2048xi32, #tpu.memory_space<vmem>>, vector<16xi32>,
        tpu.vector_store %arg11[%swap3A_174], %mul3A_164 {strides = array<i32>} : memref<2048xi32, #tpu.memory_space<vmem>>, vector<16xi32>,
        %scan3A_176 = arith.constant 0 : i32
        %scan3A_177 = arith.constant 4 : i32
        %scan3A_178 = arith.addi %scan3A_93, %scan3A_177 : i32
        %mul3A_179 = arith.constant 16 : i32
        %mul3A_180 = arith.muli %scan3A_178, %mul3A_179 : i32
        %add3A_181 = vector.broadcast %mul3A_180 : i32 to vector<16xi32>
        %add3A_182 = arith.addi %iota3A, %add3A_181 : vector<16xi32>
        %mul3A_183 = arith.constant 1024 : i32
        %mul3A_184 = vector.broadcast %mul3A_183 : i32 to vector<16xi32>
        %mul3A_185 = arith.muli %add3A_182, %mul3A_184 : vector<16xi32>
        %add3A_186 = arith.addi %mul3A_185, %get3A_4 : vector<16xi32>
        %mul3A_187 = arith.constant 16 : i32
        %mul3A_188 = arith.muli %scan3A_178, %mul3A_187 : i32
        %swap3A_189 = arith.index_cast %mul3A_188 : i32 to index
        %swap3A_190 = tpu.vector_load %arg11[%swap3A_189] {strides = array<i32>} : memref<2048xi32, #tpu.memory_space<vmem>>, vector<16xi32>,
        tpu.vector_store %arg11[%swap3A_189], %add3A_186 {strides = array<i32>} : memref<2048xi32, #tpu.memory_space<vmem>>, vector<16xi32>,
        %mul3A_191 = arith.constant 16 : i32
        %mul3A_192 = arith.muli %scan3A_178, %mul3A_191 : i32
        %add3A_193 = arith.constant 1024 : i32
        %add3A_194 = arith.addi %add3A_193, %mul3A_192 : i32
        %swap3A_195 = arith.index_cast %add3A_194 : i32 to index
        %swap3A_196 = tpu.vector_load %arg11[%swap3A_195] {strides = array<i32>} : memref<2048xi32, #tpu.memory_space<vmem>>, vector<16xi32>,
        tpu.vector_store %arg11[%swap3A_195], %mul3A_185 {strides = array<i32>} : memref<2048xi32, #tpu.memory_space<vmem>>, vector<16xi32>,
        %scan3A_197 = arith.constant 0 : i32
        %scan3A_198 = arith.constant 5 : i32
        %scan3A_199 = arith.addi %scan3A_93, %scan3A_198 : i32
        %mul3A_200 = arith.constant 16 : i32
        %mul3A_201 = arith.muli %scan3A_199, %mul3A_200 : i32
        %add3A_202 = vector.broadcast %mul3A_201 : i32 to vector<16xi32>
        %add3A_203 = arith.addi %iota3A, %add3A_202 : vector<16xi32>
        %mul3A_204 = arith.constant 1024 : i32
        %mul3A_205 = vector.broadcast %mul3A_204 : i32 to vector<16xi32>
        %mul3A_206 = arith.muli %add3A_203, %mul3A_205 : vector<16xi32>
        %add3A_207 = arith.addi %mul3A_206, %get3A_4 : vector<16xi32>
        %mul3A_208 = arith.constant 16 : i32
        %mul3A_209 = arith.muli %scan3A_199, %mul3A_208 : i32
        %swap3A_210 = arith.index_cast %mul3A_209 : i32 to index
        %swap3A_211 = tpu.vector_load %arg11[%swap3A_210] {strides = array<i32>} : memref<2048xi32, #tpu.memory_space<vmem>>, vector<16xi32>,
        tpu.vector_store %arg11[%swap3A_210], %add3A_207 {strides = array<i32>} : memref<2048xi32, #tpu.memory_space<vmem>>, vector<16xi32>,
        %mul3A_212 = arith.constant 16 : i32
        %mul3A_213 = arith.muli %scan3A_199, %mul3A_212 : i32
        %add3A_214 = arith.constant 1024 : i32
        %add3A_215 = arith.addi %add3A_214, %mul3A_213 : i32
        %swap3A_216 = arith.index_cast %add3A_215 : i32 to index
        %swap3A_217 = tpu.vector_load %arg11[%swap3A_216] {strides = array<i32>} : memref<2048xi32, #tpu.memory_space<vmem>>, vector<16xi32>,
        tpu.vector_store %arg11[%swap3A_216], %mul3A_206 {strides = array<i32>} : memref<2048xi32, #tpu.memory_space<vmem>>, vector<16xi32>,
        %scan3A_218 = arith.constant 0 : i32
        %scan3A_219 = arith.constant 6 : i32
        %scan3A_220 = arith.addi %scan3A_93, %scan3A_219 : i32
        %mul3A_221 = arith.constant 16 : i32
        %mul3A_222 = arith.muli %scan3A_220, %mul3A_221 : i32
        %add3A_223 = vector.broadcast %mul3A_222 : i32 to vector<16xi32>
        %add3A_224 = arith.addi %iota3A, %add3A_223 : vector<16xi32>
        %mul3A_225 = arith.constant 1024 : i32
        %mul3A_226 = vector.broadcast %mul3A_225 : i32 to vector<16xi32>
        %mul3A_227 = arith.muli %add3A_224, %mul3A_226 : vector<16xi32>
        %add3A_228 = arith.addi %mul3A_227, %get3A_4 : vector<16xi32>
        %mul3A_229 = arith.constant 16 : i32
        %mul3A_230 = arith.muli %scan3A_220, %mul3A_229 : i32
        %swap3A_231 = arith.index_cast %mul3A_230 : i32 to index
        %swap3A_232 = tpu.vector_load %arg11[%swap3A_231] {strides = array<i32>} : memref<2048xi32, #tpu.memory_space<vmem>>, vector<16xi32>,
        tpu.vector_store %arg11[%swap3A_231], %add3A_228 {strides = array<i32>} : memref<2048xi32, #tpu.memory_space<vmem>>, vector<16xi32>,
        %mul3A_233 = arith.constant 16 : i32
        %mul3A_234 = arith.muli %scan3A_220, %mul3A_233 : i32
        %add3A_235 = arith.constant 1024 : i32
        %add3A_236 = arith.addi %add3A_235, %mul3A_234 : i32
        %swap3A_237 = arith.index_cast %add3A_236 : i32 to index
        %swap3A_238 = tpu.vector_load %arg11[%swap3A_237] {strides = array<i32>} : memref<2048xi32, #tpu.memory_space<vmem>>, vector<16xi32>,
        tpu.vector_store %arg11[%swap3A_237], %mul3A_227 {strides = array<i32>} : memref<2048xi32, #tpu.memory_space<vmem>>, vector<16xi32>,
        %scan3A_239 = arith.constant 0 : i32
        %scan3A_240 = arith.constant 7 : i32
        %scan3A_241 = arith.addi %scan3A_93, %scan3A_240 : i32
        %mul3A_242 = arith.constant 16 : i32
        %mul3A_243 = arith.muli %scan3A_241, %mul3A_242 : i32
        %add3A_244 = vector.broadcast %mul3A_243 : i32 to vector<16xi32>
        %add3A_245 = arith.addi %iota3A, %add3A_244 : vector<16xi32>
        %mul3A_246 = arith.constant 1024 : i32
        %mul3A_247 = vector.broadcast %mul3A_246 : i32 to vector<16xi32>
        %mul3A_248 = arith.muli %add3A_245, %mul3A_247 : vector<16xi32>
        %add3A_249 = arith.addi %mul3A_248, %get3A_4 : vector<16xi32>
        %mul3A_250 = arith.constant 16 : i32
        %mul3A_251 = arith.muli %scan3A_241, %mul3A_250 : i32
        %swap3A_252 = arith.index_cast %mul3A_251 : i32 to index
        %swap3A_253 = tpu.vector_load %arg11[%swap3A_252] {strides = array<i32>} : memref<2048xi32, #tpu.memory_space<vmem>>, vector<16xi32>,
        tpu.vector_store %arg11[%swap3A_252], %add3A_249 {strides = array<i32>} : memref<2048xi32, #tpu.memory_space<vmem>>, vector<16xi32>,
        %mul3A_254 = arith.constant 16 : i32
        %mul3A_255 = arith.muli %scan3A_241, %mul3A_254 : i32
        %add3A_256 = arith.constant 1024 : i32
        %add3A_257 = arith.addi %add3A_256, %mul3A_255 : i32
        %swap3A_258 = arith.index_cast %add3A_257 : i32 to index
        %swap3A_259 = tpu.vector_load %arg11[%swap3A_258] {strides = array<i32>} : memref<2048xi32, #tpu.memory_space<vmem>>, vector<16xi32>,
        tpu.vector_store %arg11[%swap3A_258], %mul3A_248 {strides = array<i32>} : memref<2048xi32, #tpu.memory_space<vmem>>, vector<16xi32>,
        %scan3A_260 = arith.constant 0 : i32
        scf.yield %scan3A_260 : i32
      }
      %scan3A_12 = arith.constant 64 : i32
      %dma_start3A = arith.constant 0 : i32
      %dma_start3A_13 = tpu.memref_slice %arg2[%dma_start3A] : memref<1048576xf32, #tpu.memory_space<hbm>> -> memref<1048576xf32, #tpu.memory_space<hbm>>
      tpu.enqueue_indirect_dma source(%dma_start3A_13 : memref<1048576xf32, #tpu.memory_space<hbm>>) target(%arg12 : memref<2048xf32, #tpu.memory_space<vmem>>) offsets(%arg11 : memref<2048xi32, #tpu.memory_space<vmem>>) semaphore(%arg24 : memref<!tpu.dma_semaphore, #tpu.memory_space<semaphore_mem>>)
      %dma_wait3A = arith.constant 0 : i32
      %dma_wait3A_14 = tpu.memref_slice %arg2[%dma_wait3A] : memref<1048576xf32, #tpu.memory_space<hbm>> -> memref<1048576xf32, #tpu.memory_space<hbm>>
      tpu.wait_indirect_dma semaphore(%arg24 : memref<!tpu.dma_semaphore, #tpu.memory_space<semaphore_mem>>) src(%dma_wait3A_14 : memref<1048576xf32, #tpu.memory_space<hbm>>) dst(%arg12 : memref<2048xf32, #tpu.memory_space<vmem>>)
      %scan3A_15 = arith.constant 0 : i32
      %scan3A_16 = arith.constant 0 : i32
      %scan3A_17 = arith.constant 64 : i32
      %scan3A_18 = arith.addi %scan3A_16, %scan3A_17 : i32
      %scan3A_19 = arith.constant 8 : i32
      %scan3A_20 = scf.for %scan3A_93 = %scan3A_16 to %scan3A_18 step %scan3A_19 iter_args(%scan3A_94 = %scan3A_15) -> (i32)  : i32 {
        %mul3A_95 = arith.constant 16 : i32
        %mul3A_96 = arith.muli %scan3A_93, %mul3A_95 : i32
        %get3A_97 = arith.index_cast %mul3A_96 : i32 to index
        %get3A_98 = tpu.vector_load %arg13[%get3A_97] {strides = array<i32>} : memref<1024xf32, #tpu.memory_space<vmem>>, vector<16xf32>,
        %mul3A_99 = arith.constant 16 : i32
        %mul3A_100 = arith.muli %scan3A_93, %mul3A_99 : i32
        %get3A_101 = arith.index_cast %mul3A_100 : i32 to index
        %get3A_102 = tpu.vector_load %arg12[%get3A_101] {strides = array<i32>} : memref<2048xf32, #tpu.memory_space<vmem>>, vector<16xf32>,
        %sub3A = arith.subf %get3A_102, %get3A_98 : vector<16xf32>
        %broadcast_in_dim3A_103 = arith.constant true
        %broadcast_in_dim3A_104 = vector.broadcast %broadcast_in_dim3A_103 : i1 to vector<16xi1>
        %masked_cumsum3A = tpu.scan <sum>, %sub3A masked %broadcast_in_dim3A_104 : vector<16xf32>, vector<16xi1> -> vector<16xf32>
        %sub3A_105 = arith.subf %masked_cumsum3A, %sub3A : vector<16xf32>
        %mul3A_106 = arith.constant 16 : i32
        %mul3A_107 = arith.muli %scan3A_93, %mul3A_106 : i32
        %swap3A_108 = arith.index_cast %mul3A_107 : i32 to index
        %swap3A_109 = tpu.vector_load %arg14[%swap3A_108] {strides = array<i32>} : memref<1024xf32, #tpu.memory_space<vmem>>, vector<16xf32>,
        tpu.vector_store %arg14[%swap3A_108], %sub3A_105 {strides = array<i32>} : memref<1024xf32, #tpu.memory_space<vmem>>, vector<16xf32>,
        %mul3A_110 = arith.constant 16 : i32
        %mul3A_111 = arith.muli %scan3A_93, %mul3A_110 : i32
        %add3A_112 = arith.constant 1024 : i32
        %add3A_113 = arith.addi %add3A_112, %mul3A_111 : i32
        %get3A_114 = arith.index_cast %add3A_113 : i32 to index
        %get3A_115 = tpu.vector_load %arg12[%get3A_114] {strides = array<i32>} : memref<2048xf32, #tpu.memory_space<vmem>>, vector<16xf32>,
        %sub3A_116 = arith.subf %get3A_115, %get3A_98 : vector<16xf32>
        %mul3A_117 = arith.constant 16 : i32
        %mul3A_118 = arith.muli %scan3A_93, %mul3A_117 : i32
        %swap3A_119 = arith.index_cast %mul3A_118 : i32 to index
        %swap3A_120 = tpu.vector_load %arg15[%swap3A_119] {strides = array<i32>} : memref<1024xf32, #tpu.memory_space<vmem>>, vector<16xf32>,
        tpu.vector_store %arg15[%swap3A_119], %sub3A_116 {strides = array<i32>} : memref<1024xf32, #tpu.memory_space<vmem>>, vector<16xf32>,
        %scan3A_121 = arith.constant 0 : i32
        %scan3A_122 = arith.constant 1 : i32
        %scan3A_123 = arith.addi %scan3A_93, %scan3A_122 : i32
        %mul3A_124 = arith.constant 16 : i32
        %mul3A_125 = arith.muli %scan3A_123, %mul3A_124 : i32
        %get3A_126 = arith.index_cast %mul3A_125 : i32 to index
        %get3A_127 = tpu.vector_load %arg13[%get3A_126] {strides = array<i32>} : memref<1024xf32, #tpu.memory_space<vmem>>, vector<16xf32>,
        %mul3A_128 = arith.constant 16 : i32
        %mul3A_129 = arith.muli %scan3A_123, %mul3A_128 : i32
        %get3A_130 = arith.index_cast %mul3A_129 : i32 to index
        %get3A_131 = tpu.vector_load %arg12[%get3A_130] {strides = array<i32>} : memref<2048xf32, #tpu.memory_space<vmem>>, vector<16xf32>,
        %sub3A_132 = arith.subf %get3A_131, %get3A_127 : vector<16xf32>
        %broadcast_in_dim3A_133 = arith.constant true
        %broadcast_in_dim3A_134 = vector.broadcast %broadcast_in_dim3A_133 : i1 to vector<16xi1>
        %masked_cumsum3A_135 = tpu.scan <sum>, %sub3A_132 masked %broadcast_in_dim3A_134 : vector<16xf32>, vector<16xi1> -> vector<16xf32>
        %sub3A_136 = arith.subf %masked_cumsum3A_135, %sub3A_132 : vector<16xf32>
        %mul3A_137 = arith.constant 16 : i32
        %mul3A_138 = arith.muli %scan3A_123, %mul3A_137 : i32
        %swap3A_139 = arith.index_cast %mul3A_138 : i32 to index
        %swap3A_140 = tpu.vector_load %arg14[%swap3A_139] {strides = array<i32>} : memref<1024xf32, #tpu.memory_space<vmem>>, vector<16xf32>,
        tpu.vector_store %arg14[%swap3A_139], %sub3A_136 {strides = array<i32>} : memref<1024xf32, #tpu.memory_space<vmem>>, vector<16xf32>,
        %mul3A_141 = arith.constant 16 : i32
        %mul3A_142 = arith.muli %scan3A_123, %mul3A_141 : i32
        %add3A_143 = arith.constant 1024 : i32
        %add3A_144 = arith.addi %add3A_143, %mul3A_142 : i32
        %get3A_145 = arith.index_cast %add3A_144 : i32 to index
        %get3A_146 = tpu.vector_load %arg12[%get3A_145] {strides = array<i32>} : memref<2048xf32, #tpu.memory_space<vmem>>, vector<16xf32>,
        %sub3A_147 = arith.subf %get3A_146, %get3A_127 : vector<16xf32>
        %mul3A_148 = arith.constant 16 : i32
        %mul3A_149 = arith.muli %scan3A_123, %mul3A_148 : i32
        %swap3A_150 = arith.index_cast %mul3A_149 : i32 to index
        %swap3A_151 = tpu.vector_load %arg15[%swap3A_150] {strides = array<i32>} : memref<1024xf32, #tpu.memory_space<vmem>>, vector<16xf32>,
        tpu.vector_store %arg15[%swap3A_150], %sub3A_147 {strides = array<i32>} : memref<1024xf32, #tpu.memory_space<vmem>>, vector<16xf32>,
        %scan3A_152 = arith.constant 0 : i32
        %scan3A_153 = arith.constant 2 : i32
        %scan3A_154 = arith.addi %scan3A_93, %scan3A_153 : i32
        %mul3A_155 = arith.constant 16 : i32
        %mul3A_156 = arith.muli %scan3A_154, %mul3A_155 : i32
        %get3A_157 = arith.index_cast %mul3A_156 : i32 to index
        %get3A_158 = tpu.vector_load %arg13[%get3A_157] {strides = array<i32>} : memref<1024xf32, #tpu.memory_space<vmem>>, vector<16xf32>,
        %mul3A_159 = arith.constant 16 : i32
        %mul3A_160 = arith.muli %scan3A_154, %mul3A_159 : i32
        %get3A_161 = arith.index_cast %mul3A_160 : i32 to index
        %get3A_162 = tpu.vector_load %arg12[%get3A_161] {strides = array<i32>} : memref<2048xf32, #tpu.memory_space<vmem>>, vector<16xf32>,
        %sub3A_163 = arith.subf %get3A_162, %get3A_158 : vector<16xf32>
        %broadcast_in_dim3A_164 = arith.constant true
        %broadcast_in_dim3A_165 = vector.broadcast %broadcast_in_dim3A_164 : i1 to vector<16xi1>
        %masked_cumsum3A_166 = tpu.scan <sum>, %sub3A_163 masked %broadcast_in_dim3A_165 : vector<16xf32>, vector<16xi1> -> vector<16xf32>
        %sub3A_167 = arith.subf %masked_cumsum3A_166, %sub3A_163 : vector<16xf32>
        %mul3A_168 = arith.constant 16 : i32
        %mul3A_169 = arith.muli %scan3A_154, %mul3A_168 : i32
        %swap3A_170 = arith.index_cast %mul3A_169 : i32 to index
        %swap3A_171 = tpu.vector_load %arg14[%swap3A_170] {strides = array<i32>} : memref<1024xf32, #tpu.memory_space<vmem>>, vector<16xf32>,
        tpu.vector_store %arg14[%swap3A_170], %sub3A_167 {strides = array<i32>} : memref<1024xf32, #tpu.memory_space<vmem>>, vector<16xf32>,
        %mul3A_172 = arith.constant 16 : i32
        %mul3A_173 = arith.muli %scan3A_154, %mul3A_172 : i32
        %add3A_174 = arith.constant 1024 : i32
        %add3A_175 = arith.addi %add3A_174, %mul3A_173 : i32
        %get3A_176 = arith.index_cast %add3A_175 : i32 to index
        %get3A_177 = tpu.vector_load %arg12[%get3A_176] {strides = array<i32>} : memref<2048xf32, #tpu.memory_space<vmem>>, vector<16xf32>,
        %sub3A_178 = arith.subf %get3A_177, %get3A_158 : vector<16xf32>
        %mul3A_179 = arith.constant 16 : i32
        %mul3A_180 = arith.muli %scan3A_154, %mul3A_179 : i32
        %swap3A_181 = arith.index_cast %mul3A_180 : i32 to index
        %swap3A_182 = tpu.vector_load %arg15[%swap3A_181] {strides = array<i32>} : memref<1024xf32, #tpu.memory_space<vmem>>, vector<16xf32>,
        tpu.vector_store %arg15[%swap3A_181], %sub3A_178 {strides = array<i32>} : memref<1024xf32, #tpu.memory_space<vmem>>, vector<16xf32>,
        %scan3A_183 = arith.constant 0 : i32
        %scan3A_184 = arith.constant 3 : i32
        %scan3A_185 = arith.addi %scan3A_93, %scan3A_184 : i32
        %mul3A_186 = arith.constant 16 : i32
        %mul3A_187 = arith.muli %scan3A_185, %mul3A_186 : i32
        %get3A_188 = arith.index_cast %mul3A_187 : i32 to index
        %get3A_189 = tpu.vector_load %arg13[%get3A_188] {strides = array<i32>} : memref<1024xf32, #tpu.memory_space<vmem>>, vector<16xf32>,
        %mul3A_190 = arith.constant 16 : i32
        %mul3A_191 = arith.muli %scan3A_185, %mul3A_190 : i32
        %get3A_192 = arith.index_cast %mul3A_191 : i32 to index
        %get3A_193 = tpu.vector_load %arg12[%get3A_192] {strides = array<i32>} : memref<2048xf32, #tpu.memory_space<vmem>>, vector<16xf32>,
        %sub3A_194 = arith.subf %get3A_193, %get3A_189 : vector<16xf32>
        %broadcast_in_dim3A_195 = arith.constant true
        %broadcast_in_dim3A_196 = vector.broadcast %broadcast_in_dim3A_195 : i1 to vector<16xi1>
        %masked_cumsum3A_197 = tpu.scan <sum>, %sub3A_194 masked %broadcast_in_dim3A_196 : vector<16xf32>, vector<16xi1> -> vector<16xf32>
        %sub3A_198 = arith.subf %masked_cumsum3A_197, %sub3A_194 : vector<16xf32>
        %mul3A_199 = arith.constant 16 : i32
        %mul3A_200 = arith.muli %scan3A_185, %mul3A_199 : i32
        %swap3A_201 = arith.index_cast %mul3A_200 : i32 to index
        %swap3A_202 = tpu.vector_load %arg14[%swap3A_201] {strides = array<i32>} : memref<1024xf32, #tpu.memory_space<vmem>>, vector<16xf32>,
        tpu.vector_store %arg14[%swap3A_201], %sub3A_198 {strides = array<i32>} : memref<1024xf32, #tpu.memory_space<vmem>>, vector<16xf32>,
        %mul3A_203 = arith.constant 16 : i32
        %mul3A_204 = arith.muli %scan3A_185, %mul3A_203 : i32
        %add3A_205 = arith.constant 1024 : i32
        %add3A_206 = arith.addi %add3A_205, %mul3A_204 : i32
        %get3A_207 = arith.index_cast %add3A_206 : i32 to index
        %get3A_208 = tpu.vector_load %arg12[%get3A_207] {strides = array<i32>} : memref<2048xf32, #tpu.memory_space<vmem>>, vector<16xf32>,
        %sub3A_209 = arith.subf %get3A_208, %get3A_189 : vector<16xf32>
        %mul3A_210 = arith.constant 16 : i32
        %mul3A_211 = arith.muli %scan3A_185, %mul3A_210 : i32
        %swap3A_212 = arith.index_cast %mul3A_211 : i32 to index
        %swap3A_213 = tpu.vector_load %arg15[%swap3A_212] {strides = array<i32>} : memref<1024xf32, #tpu.memory_space<vmem>>, vector<16xf32>,
        tpu.vector_store %arg15[%swap3A_212], %sub3A_209 {strides = array<i32>} : memref<1024xf32, #tpu.memory_space<vmem>>, vector<16xf32>,
        %scan3A_214 = arith.constant 0 : i32
        %scan3A_215 = arith.constant 4 : i32
        %scan3A_216 = arith.addi %scan3A_93, %scan3A_215 : i32
        %mul3A_217 = arith.constant 16 : i32
        %mul3A_218 = arith.muli %scan3A_216, %mul3A_217 : i32
        %get3A_219 = arith.index_cast %mul3A_218 : i32 to index
        %get3A_220 = tpu.vector_load %arg13[%get3A_219] {strides = array<i32>} : memref<1024xf32, #tpu.memory_space<vmem>>, vector<16xf32>,
        %mul3A_221 = arith.constant 16 : i32
        %mul3A_222 = arith.muli %scan3A_216, %mul3A_221 : i32
        %get3A_223 = arith.index_cast %mul3A_222 : i32 to index
        %get3A_224 = tpu.vector_load %arg12[%get3A_223] {strides = array<i32>} : memref<2048xf32, #tpu.memory_space<vmem>>, vector<16xf32>,
        %sub3A_225 = arith.subf %get3A_224, %get3A_220 : vector<16xf32>
        %broadcast_in_dim3A_226 = arith.constant true
        %broadcast_in_dim3A_227 = vector.broadcast %broadcast_in_dim3A_226 : i1 to vector<16xi1>
        %masked_cumsum3A_228 = tpu.scan <sum>, %sub3A_225 masked %broadcast_in_dim3A_227 : vector<16xf32>, vector<16xi1> -> vector<16xf32>
        %sub3A_229 = arith.subf %masked_cumsum3A_228, %sub3A_225 : vector<16xf32>
        %mul3A_230 = arith.constant 16 : i32
        %mul3A_231 = arith.muli %scan3A_216, %mul3A_230 : i32
        %swap3A_232 = arith.index_cast %mul3A_231 : i32 to index
        %swap3A_233 = tpu.vector_load %arg14[%swap3A_232] {strides = array<i32>} : memref<1024xf32, #tpu.memory_space<vmem>>, vector<16xf32>,
        tpu.vector_store %arg14[%swap3A_232], %sub3A_229 {strides = array<i32>} : memref<1024xf32, #tpu.memory_space<vmem>>, vector<16xf32>,
        %mul3A_234 = arith.constant 16 : i32
        %mul3A_235 = arith.muli %scan3A_216, %mul3A_234 : i32
        %add3A_236 = arith.constant 1024 : i32
        %add3A_237 = arith.addi %add3A_236, %mul3A_235 : i32
        %get3A_238 = arith.index_cast %add3A_237 : i32 to index
        %get3A_239 = tpu.vector_load %arg12[%get3A_238] {strides = array<i32>} : memref<2048xf32, #tpu.memory_space<vmem>>, vector<16xf32>,
        %sub3A_240 = arith.subf %get3A_239, %get3A_220 : vector<16xf32>
        %mul3A_241 = arith.constant 16 : i32
        %mul3A_242 = arith.muli %scan3A_216, %mul3A_241 : i32
        %swap3A_243 = arith.index_cast %mul3A_242 : i32 to index
        %swap3A_244 = tpu.vector_load %arg15[%swap3A_243] {strides = array<i32>} : memref<1024xf32, #tpu.memory_space<vmem>>, vector<16xf32>,
        tpu.vector_store %arg15[%swap3A_243], %sub3A_240 {strides = array<i32>} : memref<1024xf32, #tpu.memory_space<vmem>>, vector<16xf32>,
        %scan3A_245 = arith.constant 0 : i32
        %scan3A_246 = arith.constant 5 : i32
        %scan3A_247 = arith.addi %scan3A_93, %scan3A_246 : i32
        %mul3A_248 = arith.constant 16 : i32
        %mul3A_249 = arith.muli %scan3A_247, %mul3A_248 : i32
        %get3A_250 = arith.index_cast %mul3A_249 : i32 to index
        %get3A_251 = tpu.vector_load %arg13[%get3A_250] {strides = array<i32>} : memref<1024xf32, #tpu.memory_space<vmem>>, vector<16xf32>,
        %mul3A_252 = arith.constant 16 : i32
        %mul3A_253 = arith.muli %scan3A_247, %mul3A_252 : i32
        %get3A_254 = arith.index_cast %mul3A_253 : i32 to index
        %get3A_255 = tpu.vector_load %arg12[%get3A_254] {strides = array<i32>} : memref<2048xf32, #tpu.memory_space<vmem>>, vector<16xf32>,
        %sub3A_256 = arith.subf %get3A_255, %get3A_251 : vector<16xf32>
        %broadcast_in_dim3A_257 = arith.constant true
        %broadcast_in_dim3A_258 = vector.broadcast %broadcast_in_dim3A_257 : i1 to vector<16xi1>
        %masked_cumsum3A_259 = tpu.scan <sum>, %sub3A_256 masked %broadcast_in_dim3A_258 : vector<16xf32>, vector<16xi1> -> vector<16xf32>
        %sub3A_260 = arith.subf %masked_cumsum3A_259, %sub3A_256 : vector<16xf32>
        %mul3A_261 = arith.constant 16 : i32
        %mul3A_262 = arith.muli %scan3A_247, %mul3A_261 : i32
        %swap3A_263 = arith.index_cast %mul3A_262 : i32 to index
        %swap3A_264 = tpu.vector_load %arg14[%swap3A_263] {strides = array<i32>} : memref<1024xf32, #tpu.memory_space<vmem>>, vector<16xf32>,
        tpu.vector_store %arg14[%swap3A_263], %sub3A_260 {strides = array<i32>} : memref<1024xf32, #tpu.memory_space<vmem>>, vector<16xf32>,
        %mul3A_265 = arith.constant 16 : i32
        %mul3A_266 = arith.muli %scan3A_247, %mul3A_265 : i32
        %add3A_267 = arith.constant 1024 : i32
        %add3A_268 = arith.addi %add3A_267, %mul3A_266 : i32
        %get3A_269 = arith.index_cast %add3A_268 : i32 to index
        %get3A_270 = tpu.vector_load %arg12[%get3A_269] {strides = array<i32>} : memref<2048xf32, #tpu.memory_space<vmem>>, vector<16xf32>,
        %sub3A_271 = arith.subf %get3A_270, %get3A_251 : vector<16xf32>
        %mul3A_272 = arith.constant 16 : i32
        %mul3A_273 = arith.muli %scan3A_247, %mul3A_272 : i32
        %swap3A_274 = arith.index_cast %mul3A_273 : i32 to index
        %swap3A_275 = tpu.vector_load %arg15[%swap3A_274] {strides = array<i32>} : memref<1024xf32, #tpu.memory_space<vmem>>, vector<16xf32>,
        tpu.vector_store %arg15[%swap3A_274], %sub3A_271 {strides = array<i32>} : memref<1024xf32, #tpu.memory_space<vmem>>, vector<16xf32>,
        %scan3A_276 = arith.constant 0 : i32
        %scan3A_277 = arith.constant 6 : i32
        %scan3A_278 = arith.addi %scan3A_93, %scan3A_277 : i32
        %mul3A_279 = arith.constant 16 : i32
        %mul3A_280 = arith.muli %scan3A_278, %mul3A_279 : i32
        %get3A_281 = arith.index_cast %mul3A_280 : i32 to index
        %get3A_282 = tpu.vector_load %arg13[%get3A_281] {strides = array<i32>} : memref<1024xf32, #tpu.memory_space<vmem>>, vector<16xf32>,
        %mul3A_283 = arith.constant 16 : i32
        %mul3A_284 = arith.muli %scan3A_278, %mul3A_283 : i32
        %get3A_285 = arith.index_cast %mul3A_284 : i32 to index
        %get3A_286 = tpu.vector_load %arg12[%get3A_285] {strides = array<i32>} : memref<2048xf32, #tpu.memory_space<vmem>>, vector<16xf32>,
        %sub3A_287 = arith.subf %get3A_286, %get3A_282 : vector<16xf32>
        %broadcast_in_dim3A_288 = arith.constant true
        %broadcast_in_dim3A_289 = vector.broadcast %broadcast_in_dim3A_288 : i1 to vector<16xi1>
        %masked_cumsum3A_290 = tpu.scan <sum>, %sub3A_287 masked %broadcast_in_dim3A_289 : vector<16xf32>, vector<16xi1> -> vector<16xf32>
        %sub3A_291 = arith.subf %masked_cumsum3A_290, %sub3A_287 : vector<16xf32>
        %mul3A_292 = arith.constant 16 : i32
        %mul3A_293 = arith.muli %scan3A_278, %mul3A_292 : i32
        %swap3A_294 = arith.index_cast %mul3A_293 : i32 to index
        %swap3A_295 = tpu.vector_load %arg14[%swap3A_294] {strides = array<i32>} : memref<1024xf32, #tpu.memory_space<vmem>>, vector<16xf32>,
        tpu.vector_store %arg14[%swap3A_294], %sub3A_291 {strides = array<i32>} : memref<1024xf32, #tpu.memory_space<vmem>>, vector<16xf32>,
        %mul3A_296 = arith.constant 16 : i32
        %mul3A_297 = arith.muli %scan3A_278, %mul3A_296 : i32
        %add3A_298 = arith.constant 1024 : i32
        %add3A_299 = arith.addi %add3A_298, %mul3A_297 : i32
        %get3A_300 = arith.index_cast %add3A_299 : i32 to index
        %get3A_301 = tpu.vector_load %arg12[%get3A_300] {strides = array<i32>} : memref<2048xf32, #tpu.memory_space<vmem>>, vector<16xf32>,
        %sub3A_302 = arith.subf %get3A_301, %get3A_282 : vector<16xf32>
        %mul3A_303 = arith.constant 16 : i32
        %mul3A_304 = arith.muli %scan3A_278, %mul3A_303 : i32
        %swap3A_305 = arith.index_cast %mul3A_304 : i32 to index
        %swap3A_306 = tpu.vector_load %arg15[%swap3A_305] {strides = array<i32>} : memref<1024xf32, #tpu.memory_space<vmem>>, vector<16xf32>,
        tpu.vector_store %arg15[%swap3A_305], %sub3A_302 {strides = array<i32>} : memref<1024xf32, #tpu.memory_space<vmem>>, vector<16xf32>,
        %scan3A_307 = arith.constant 0 : i32
        %scan3A_308 = arith.constant 7 : i32
        %scan3A_309 = arith.addi %scan3A_93, %scan3A_308 : i32
        %mul3A_310 = arith.constant 16 : i32
        %mul3A_311 = arith.muli %scan3A_309, %mul3A_310 : i32
        %get3A_312 = arith.index_cast %mul3A_311 : i32 to index
        %get3A_313 = tpu.vector_load %arg13[%get3A_312] {strides = array<i32>} : memref<1024xf32, #tpu.memory_space<vmem>>, vector<16xf32>,
        %mul3A_314 = arith.constant 16 : i32
        %mul3A_315 = arith.muli %scan3A_309, %mul3A_314 : i32
        %get3A_316 = arith.index_cast %mul3A_315 : i32 to index
        %get3A_317 = tpu.vector_load %arg12[%get3A_316] {strides = array<i32>} : memref<2048xf32, #tpu.memory_space<vmem>>, vector<16xf32>,
        %sub3A_318 = arith.subf %get3A_317, %get3A_313 : vector<16xf32>
        %broadcast_in_dim3A_319 = arith.constant true
        %broadcast_in_dim3A_320 = vector.broadcast %broadcast_in_dim3A_319 : i1 to vector<16xi1>
        %masked_cumsum3A_321 = tpu.scan <sum>, %sub3A_318 masked %broadcast_in_dim3A_320 : vector<16xf32>, vector<16xi1> -> vector<16xf32>
        %sub3A_322 = arith.subf %masked_cumsum3A_321, %sub3A_318 : vector<16xf32>
        %mul3A_323 = arith.constant 16 : i32
        %mul3A_324 = arith.muli %scan3A_309, %mul3A_323 : i32
        %swap3A_325 = arith.index_cast %mul3A_324 : i32 to index
        %swap3A_326 = tpu.vector_load %arg14[%swap3A_325] {strides = array<i32>} : memref<1024xf32, #tpu.memory_space<vmem>>, vector<16xf32>,
        tpu.vector_store %arg14[%swap3A_325], %sub3A_322 {strides = array<i32>} : memref<1024xf32, #tpu.memory_space<vmem>>, vector<16xf32>,
        %mul3A_327 = arith.constant 16 : i32
        %mul3A_328 = arith.muli %scan3A_309, %mul3A_327 : i32
        %add3A_329 = arith.constant 1024 : i32
        %add3A_330 = arith.addi %add3A_329, %mul3A_328 : i32
        %get3A_331 = arith.index_cast %add3A_330 : i32 to index
        %get3A_332 = tpu.vector_load %arg12[%get3A_331] {strides = array<i32>} : memref<2048xf32, #tpu.memory_space<vmem>>, vector<16xf32>,
        %sub3A_333 = arith.subf %get3A_332, %get3A_313 : vector<16xf32>
        %mul3A_334 = arith.constant 16 : i32
        %mul3A_335 = arith.muli %scan3A_309, %mul3A_334 : i32
        %swap3A_336 = arith.index_cast %mul3A_335 : i32 to index
        %swap3A_337 = tpu.vector_load %arg15[%swap3A_336] {strides = array<i32>} : memref<1024xf32, #tpu.memory_space<vmem>>, vector<16xf32>,
        tpu.vector_store %arg15[%swap3A_336], %sub3A_333 {strides = array<i32>} : memref<1024xf32, #tpu.memory_space<vmem>>, vector<16xf32>,
        %scan3A_338 = arith.constant 0 : i32
        scf.yield %scan3A_338 : i32
      }
      %scan3A_21 = arith.constant 64 : i32
      %broadcast_in_dim3A = arith.constant -1.000000e+30 : f32
      %broadcast_in_dim3A_22 = vector.broadcast %broadcast_in_dim3A : f32 to vector<16xf32>
      %broadcast_in_dim3A_23 = arith.constant 0.000000e+00 : f32
      %broadcast_in_dim3A_24 = vector.broadcast %broadcast_in_dim3A_23 : f32 to vector<16xf32>
      %broadcast_in_dim3A_25 = arith.constant 0.000000e+00 : f32
      %broadcast_in_dim3A_26 = vector.broadcast %broadcast_in_dim3A_25 : f32 to vector<16xf32>
      %broadcast_in_dim3A_27 = arith.constant 0.000000e+00 : f32
      %broadcast_in_dim3A_28 = vector.broadcast %broadcast_in_dim3A_27 : f32 to vector<16xf32>
      %scan3A_29 = arith.constant 0 : i32
      %scan3A_30 = arith.constant 64 : i32
      %scan3A_31 = arith.addi %scan3A_29, %scan3A_30 : i32
      %scan3A_32 = arith.constant 8 : i32
      %scan3A_33:4 = scf.for %scan3A_93 = %scan3A_29 to %scan3A_31 step %scan3A_32 iter_args(%scan3A_94 = %broadcast_in_dim3A_22, %scan3A_95 = %broadcast_in_dim3A_24, %scan3A_96 = %broadcast_in_dim3A_26, %scan3A_97 = %broadcast_in_dim3A_28) -> (vector<16xf32>, vector<16xf32>, vector<16xf32>, vector<16xf32>)  : i32 {
        %mul3A_98 = arith.constant 16 : i32
        %mul3A_99 = arith.muli %scan3A_93, %mul3A_98 : i32
        %get3A_100 = arith.index_cast %mul3A_99 : i32 to index
        %get3A_101 = tpu.vector_load %arg15[%get3A_100] {strides = array<i32>} : memref<1024xf32, #tpu.memory_space<vmem>>, vector<16xf32>,
        %mul3A_102 = arith.constant 16 : i32
        %mul3A_103 = arith.muli %scan3A_93, %mul3A_102 : i32
        %get3A_104 = arith.index_cast %mul3A_103 : i32 to index
        %get3A_105 = tpu.vector_load %arg14[%get3A_104] {strides = array<i32>} : memref<1024xf32, #tpu.memory_space<vmem>>, vector<16xf32>,
        %add3A_106 = arith.addf %scan3A_94, %scan3A_97 : vector<16xf32>
        %eq3A_107 = arith.constant 0 : i32
        %eq3A_108 = vector.broadcast %eq3A_107 : i32 to vector<16xi32>
        %eq3A_109 = arith.cmpi eq, %iota3A, %eq3A_108 : vector<16xi32>
        %jit3A = arith.constant 0.000000e+00 : f32
        %broadcast_in_dim3A_110 = vector.broadcast %jit3A : f32 to vector<16xf32>
        %select_n3A = arith.select %eq3A_109, %broadcast_in_dim3A_110, %add3A_106 : vector<16xi1>, vector<16xf32>
        %sub3A = arith.subf %select_n3A, %get3A_105 : vector<16xf32>
        %broadcast_in_dim3A_111 = arith.constant true
        %broadcast_in_dim3A_112 = vector.broadcast %broadcast_in_dim3A_111 : i1 to vector<16xi1>
        %masked_cummax3A = tpu.scan <max>, %sub3A masked %broadcast_in_dim3A_112 : vector<16xf32>, vector<16xi1> -> vector<16xf32>
        %add3A_113 = arith.addf %get3A_105, %masked_cummax3A : vector<16xf32>
        %ge3A = arith.cmpf oge, %sub3A, %masked_cummax3A : vector<16xf32>
        %jit3A_114 = arith.constant -1 : i32
        %broadcast_in_dim3A_115 = vector.broadcast %jit3A_114 : i32 to vector<16xi32>
        %select_n3A_116 = arith.select %ge3A, %iota3A, %broadcast_in_dim3A_115 : vector<16xi1>, vector<16xi32>
        %broadcast_in_dim3A_117 = arith.constant true
        %broadcast_in_dim3A_118 = vector.broadcast %broadcast_in_dim3A_117 : i1 to vector<16xi1>
        %masked_cummax3A_119 = arith.constant -2147483648 : i32
        %masked_cummax3A_120 = vector.broadcast %masked_cummax3A_119 : i32 to vector<16xi32>
        %masked_cummax3A_121 = arith.xori %select_n3A_116, %masked_cummax3A_120 : vector<16xi32>
        %masked_cummax3A_122 = tpu.scan <max>, %masked_cummax3A_121 masked %broadcast_in_dim3A_118 : vector<16xi32>, vector<16xi1> -> vector<16xi32>
        %masked_cummax3A_123 = arith.xori %masked_cummax3A_122, %masked_cummax3A_120 : vector<16xi32>
        %swap3A_124 = arith.constant 0 : index
        %swap3A_125 = tpu.vector_load %arg19[%swap3A_124] {strides = array<i32>} : memref<16xf32, #tpu.memory_space<vmem>>, vector<16xf32>,
        tpu.vector_store %arg19[%swap3A_124], %scan3A_95 {strides = array<i32>} : memref<16xf32, #tpu.memory_space<vmem>>, vector<16xf32>,
        %swap3A_126 = arith.constant 0 : index
        %swap3A_127 = tpu.vector_load %arg20[%swap3A_126] {strides = array<i32>} : memref<16xf32, #tpu.memory_space<vmem>>, vector<16xf32>,
        tpu.vector_store %arg20[%swap3A_126], %scan3A_96 {strides = array<i32>} : memref<16xf32, #tpu.memory_space<vmem>>, vector<16xf32>,
        %gather3A_128 = tpu.vector_load_idx %arg19[%masked_cummax3A_123] : memref<16xf32, #tpu.memory_space<vmem>>[vector<16xi32>], vector<16xf32>,
        %gather3A_129 = tpu.vector_load_idx %arg20[%masked_cummax3A_123] : memref<16xf32, #tpu.memory_space<vmem>>[vector<16xi32>], vector<16xf32>,
        %convert_element_type3A_130 = arith.sitofp %scan3A_93 : i32 to f32
        %eq3A_131 = arith.constant 0 : i32
        %eq3A_132 = vector.broadcast %eq3A_131 : i32 to vector<16xi32>
        %eq3A_133 = arith.cmpi eq, %masked_cummax3A_123, %eq3A_132 : vector<16xi32>
        %convert_element_type3A_134 = arith.sitofp %masked_cummax3A_123 : vector<16xi32> to vector<16xf32>
        %broadcast_in_dim3A_135 = vector.broadcast %convert_element_type3A_130 : f32 to vector<16xf32>
        %select_n3A_136 = arith.select %eq3A_133, %broadcast_in_dim3A_135, %gather3A_128 : vector<16xi1>, vector<16xf32>
        %add3A_137 = arith.constant 1.000000e+00 : f32
        %add3A_138 = vector.broadcast %add3A_137 : f32 to vector<16xf32>
        %add3A_139 = arith.addf %gather3A_129, %add3A_138 : vector<16xf32>
        %jit3A_140 = arith.constant 1.000000e+00 : f32
        %broadcast_in_dim3A_141 = vector.broadcast %jit3A_140 : f32 to vector<16xf32>
        %select_n3A_142 = arith.select %eq3A_133, %broadcast_in_dim3A_141, %add3A_139 : vector<16xi1>, vector<16xf32>
        %sub3A_143 = arith.subf %convert_element_type3A_3, %convert_element_type3A_134 : vector<16xf32>
        %add3A_144 = arith.addf %select_n3A_142, %sub3A_143 : vector<16xf32>
        %add3A_145 = arith.addf %add3A_113, %get3A_101 : vector<16xf32>
        %swap3A_146 = arith.index_cast %scan3A_93 : i32 to index
        %swap3A_147 = arith.constant 0 : index
        %swap3A_148 = tpu.vector_load %arg16[%swap3A_146, %swap3A_147] {strides = array<i32>} : memref<64x16xf32, #tpu.memory_space<vmem>>, vector<16xf32>,
        tpu.vector_store %arg16[%swap3A_146, %swap3A_147], %add3A_145 {strides = array<i32>} : memref<64x16xf32, #tpu.memory_space<vmem>>, vector<16xf32>,
        %swap3A_149 = arith.index_cast %scan3A_93 : i32 to index
        %swap3A_150 = arith.constant 0 : index
        %swap3A_151 = tpu.vector_load %arg17[%swap3A_149, %swap3A_150] {strides = array<i32>} : memref<64x16xf32, #tpu.memory_space<vmem>>, vector<16xf32>,
        tpu.vector_store %arg17[%swap3A_149, %swap3A_150], %select_n3A_136 {strides = array<i32>} : memref<64x16xf32, #tpu.memory_space<vmem>>, vector<16xf32>,
        %swap3A_152 = arith.index_cast %scan3A_93 : i32 to index
        %swap3A_153 = arith.constant 0 : index
        %swap3A_154 = tpu.vector_load %arg18[%swap3A_152, %swap3A_153] {strides = array<i32>} : memref<64x16xf32, #tpu.memory_space<vmem>>, vector<16xf32>,
        tpu.vector_store %arg18[%swap3A_152, %swap3A_153], %add3A_144 {strides = array<i32>} : memref<64x16xf32, #tpu.memory_space<vmem>>, vector<16xf32>,
        %scan3A_155 = arith.constant 1 : i32
        %scan3A_156 = arith.addi %scan3A_93, %scan3A_155 : i32
        %mul3A_157 = arith.constant 16 : i32
        %mul3A_158 = arith.muli %scan3A_156, %mul3A_157 : i32
        %get3A_159 = arith.index_cast %mul3A_158 : i32 to index
        %get3A_160 = tpu.vector_load %arg15[%get3A_159] {strides = array<i32>} : memref<1024xf32, #tpu.memory_space<vmem>>, vector<16xf32>,
        %mul3A_161 = arith.constant 16 : i32
        %mul3A_162 = arith.muli %scan3A_156, %mul3A_161 : i32
        %get3A_163 = arith.index_cast %mul3A_162 : i32 to index
        %get3A_164 = tpu.vector_load %arg14[%get3A_163] {strides = array<i32>} : memref<1024xf32, #tpu.memory_space<vmem>>, vector<16xf32>,
        %add3A_165 = arith.addf %add3A_113, %get3A_101 : vector<16xf32>
        %eq3A_166 = arith.constant 0 : i32
        %eq3A_167 = vector.broadcast %eq3A_166 : i32 to vector<16xi32>
        %eq3A_168 = arith.cmpi eq, %iota3A, %eq3A_167 : vector<16xi32>
        %jit3A_169 = arith.constant 0.000000e+00 : f32
        %broadcast_in_dim3A_170 = vector.broadcast %jit3A_169 : f32 to vector<16xf32>
        %select_n3A_171 = arith.select %eq3A_168, %broadcast_in_dim3A_170, %add3A_165 : vector<16xi1>, vector<16xf32>
        %sub3A_172 = arith.subf %select_n3A_171, %get3A_164 : vector<16xf32>
        %broadcast_in_dim3A_173 = arith.constant true
        %broadcast_in_dim3A_174 = vector.broadcast %broadcast_in_dim3A_173 : i1 to vector<16xi1>
        %masked_cummax3A_175 = tpu.scan <max>, %sub3A_172 masked %broadcast_in_dim3A_174 : vector<16xf32>, vector<16xi1> -> vector<16xf32>
        %add3A_176 = arith.addf %get3A_164, %masked_cummax3A_175 : vector<16xf32>
        %ge3A_177 = arith.cmpf oge, %sub3A_172, %masked_cummax3A_175 : vector<16xf32>
        %jit3A_178 = arith.constant -1 : i32
        %broadcast_in_dim3A_179 = vector.broadcast %jit3A_178 : i32 to vector<16xi32>
        %select_n3A_180 = arith.select %ge3A_177, %iota3A, %broadcast_in_dim3A_179 : vector<16xi1>, vector<16xi32>
        %broadcast_in_dim3A_181 = arith.constant true
        %broadcast_in_dim3A_182 = vector.broadcast %broadcast_in_dim3A_181 : i1 to vector<16xi1>
        %masked_cummax3A_183 = arith.constant -2147483648 : i32
        %masked_cummax3A_184 = vector.broadcast %masked_cummax3A_183 : i32 to vector<16xi32>
        %masked_cummax3A_185 = arith.xori %select_n3A_180, %masked_cummax3A_184 : vector<16xi32>
        %masked_cummax3A_186 = tpu.scan <max>, %masked_cummax3A_185 masked %broadcast_in_dim3A_182 : vector<16xi32>, vector<16xi1> -> vector<16xi32>
        %masked_cummax3A_187 = arith.xori %masked_cummax3A_186, %masked_cummax3A_184 : vector<16xi32>
        %swap3A_188 = arith.constant 0 : index
        %swap3A_189 = tpu.vector_load %arg19[%swap3A_188] {strides = array<i32>} : memref<16xf32, #tpu.memory_space<vmem>>, vector<16xf32>,
        tpu.vector_store %arg19[%swap3A_188], %select_n3A_136 {strides = array<i32>} : memref<16xf32, #tpu.memory_space<vmem>>, vector<16xf32>,
        %swap3A_190 = arith.constant 0 : index
        %swap3A_191 = tpu.vector_load %arg20[%swap3A_190] {strides = array<i32>} : memref<16xf32, #tpu.memory_space<vmem>>, vector<16xf32>,
        tpu.vector_store %arg20[%swap3A_190], %add3A_144 {strides = array<i32>} : memref<16xf32, #tpu.memory_space<vmem>>, vector<16xf32>,
        %gather3A_192 = tpu.vector_load_idx %arg19[%masked_cummax3A_187] : memref<16xf32, #tpu.memory_space<vmem>>[vector<16xi32>], vector<16xf32>,
        %gather3A_193 = tpu.vector_load_idx %arg20[%masked_cummax3A_187] : memref<16xf32, #tpu.memory_space<vmem>>[vector<16xi32>], vector<16xf32>,
        %convert_element_type3A_194 = arith.sitofp %scan3A_156 : i32 to f32
        %eq3A_195 = arith.constant 0 : i32
        %eq3A_196 = vector.broadcast %eq3A_195 : i32 to vector<16xi32>
        %eq3A_197 = arith.cmpi eq, %masked_cummax3A_187, %eq3A_196 : vector<16xi32>
        %convert_element_type3A_198 = arith.sitofp %masked_cummax3A_187 : vector<16xi32> to vector<16xf32>
        %broadcast_in_dim3A_199 = vector.broadcast %convert_element_type3A_194 : f32 to vector<16xf32>
        %select_n3A_200 = arith.select %eq3A_197, %broadcast_in_dim3A_199, %gather3A_192 : vector<16xi1>, vector<16xf32>
        %add3A_201 = arith.constant 1.000000e+00 : f32
        %add3A_202 = vector.broadcast %add3A_201 : f32 to vector<16xf32>
        %add3A_203 = arith.addf %gather3A_193, %add3A_202 : vector<16xf32>
        %jit3A_204 = arith.constant 1.000000e+00 : f32
        %broadcast_in_dim3A_205 = vector.broadcast %jit3A_204 : f32 to vector<16xf32>
        %select_n3A_206 = arith.select %eq3A_197, %broadcast_in_dim3A_205, %add3A_203 : vector<16xi1>, vector<16xf32>
        %sub3A_207 = arith.subf %convert_element_type3A_3, %convert_element_type3A_198 : vector<16xf32>
        %add3A_208 = arith.addf %select_n3A_206, %sub3A_207 : vector<16xf32>
        %add3A_209 = arith.addf %add3A_176, %get3A_160 : vector<16xf32>
        %swap3A_210 = arith.index_cast %scan3A_156 : i32 to index
        %swap3A_211 = arith.constant 0 : index
        %swap3A_212 = tpu.vector_load %arg16[%swap3A_210, %swap3A_211] {strides = array<i32>} : memref<64x16xf32, #tpu.memory_space<vmem>>, vector<16xf32>,
        tpu.vector_store %arg16[%swap3A_210, %swap3A_211], %add3A_209 {strides = array<i32>} : memref<64x16xf32, #tpu.memory_space<vmem>>, vector<16xf32>,
        %swap3A_213 = arith.index_cast %scan3A_156 : i32 to index
        %swap3A_214 = arith.constant 0 : index
        %swap3A_215 = tpu.vector_load %arg17[%swap3A_213, %swap3A_214] {strides = array<i32>} : memref<64x16xf32, #tpu.memory_space<vmem>>, vector<16xf32>,
        tpu.vector_store %arg17[%swap3A_213, %swap3A_214], %select_n3A_200 {strides = array<i32>} : memref<64x16xf32, #tpu.memory_space<vmem>>, vector<16xf32>,
        %swap3A_216 = arith.index_cast %scan3A_156 : i32 to index
        %swap3A_217 = arith.constant 0 : index
        %swap3A_218 = tpu.vector_load %arg18[%swap3A_216, %swap3A_217] {strides = array<i32>} : memref<64x16xf32, #tpu.memory_space<vmem>>, vector<16xf32>,
        tpu.vector_store %arg18[%swap3A_216, %swap3A_217], %add3A_208 {strides = array<i32>} : memref<64x16xf32, #tpu.memory_space<vmem>>, vector<16xf32>,
        %scan3A_219 = arith.constant 2 : i32
        %scan3A_220 = arith.addi %scan3A_93, %scan3A_219 : i32
        %mul3A_221 = arith.constant 16 : i32
        %mul3A_222 = arith.muli %scan3A_220, %mul3A_221 : i32
        %get3A_223 = arith.index_cast %mul3A_222 : i32 to index
        %get3A_224 = tpu.vector_load %arg15[%get3A_223] {strides = array<i32>} : memref<1024xf32, #tpu.memory_space<vmem>>, vector<16xf32>,
        %mul3A_225 = arith.constant 16 : i32
        %mul3A_226 = arith.muli %scan3A_220, %mul3A_225 : i32
        %get3A_227 = arith.index_cast %mul3A_226 : i32 to index
        %get3A_228 = tpu.vector_load %arg14[%get3A_227] {strides = array<i32>} : memref<1024xf32, #tpu.memory_space<vmem>>, vector<16xf32>,
        %add3A_229 = arith.addf %add3A_176, %get3A_160 : vector<16xf32>
        %eq3A_230 = arith.constant 0 : i32
        %eq3A_231 = vector.broadcast %eq3A_230 : i32 to vector<16xi32>
        %eq3A_232 = arith.cmpi eq, %iota3A, %eq3A_231 : vector<16xi32>
        %jit3A_233 = arith.constant 0.000000e+00 : f32
        %broadcast_in_dim3A_234 = vector.broadcast %jit3A_233 : f32 to vector<16xf32>
        %select_n3A_235 = arith.select %eq3A_232, %broadcast_in_dim3A_234, %add3A_229 : vector<16xi1>, vector<16xf32>
        %sub3A_236 = arith.subf %select_n3A_235, %get3A_228 : vector<16xf32>
        %broadcast_in_dim3A_237 = arith.constant true
        %broadcast_in_dim3A_238 = vector.broadcast %broadcast_in_dim3A_237 : i1 to vector<16xi1>
        %masked_cummax3A_239 = tpu.scan <max>, %sub3A_236 masked %broadcast_in_dim3A_238 : vector<16xf32>, vector<16xi1> -> vector<16xf32>
        %add3A_240 = arith.addf %get3A_228, %masked_cummax3A_239 : vector<16xf32>
        %ge3A_241 = arith.cmpf oge, %sub3A_236, %masked_cummax3A_239 : vector<16xf32>
        %jit3A_242 = arith.constant -1 : i32
        %broadcast_in_dim3A_243 = vector.broadcast %jit3A_242 : i32 to vector<16xi32>
        %select_n3A_244 = arith.select %ge3A_241, %iota3A, %broadcast_in_dim3A_243 : vector<16xi1>, vector<16xi32>
        %broadcast_in_dim3A_245 = arith.constant true
        %broadcast_in_dim3A_246 = vector.broadcast %broadcast_in_dim3A_245 : i1 to vector<16xi1>
        %masked_cummax3A_247 = arith.constant -2147483648 : i32
        %masked_cummax3A_248 = vector.broadcast %masked_cummax3A_247 : i32 to vector<16xi32>
        %masked_cummax3A_249 = arith.xori %select_n3A_244, %masked_cummax3A_248 : vector<16xi32>
        %masked_cummax3A_250 = tpu.scan <max>, %masked_cummax3A_249 masked %broadcast_in_dim3A_246 : vector<16xi32>, vector<16xi1> -> vector<16xi32>
        %masked_cummax3A_251 = arith.xori %masked_cummax3A_250, %masked_cummax3A_248 : vector<16xi32>
        %swap3A_252 = arith.constant 0 : index
        %swap3A_253 = tpu.vector_load %arg19[%swap3A_252] {strides = array<i32>} : memref<16xf32, #tpu.memory_space<vmem>>, vector<16xf32>,
        tpu.vector_store %arg19[%swap3A_252], %select_n3A_200 {strides = array<i32>} : memref<16xf32, #tpu.memory_space<vmem>>, vector<16xf32>,
        %swap3A_254 = arith.constant 0 : index
        %swap3A_255 = tpu.vector_load %arg20[%swap3A_254] {strides = array<i32>} : memref<16xf32, #tpu.memory_space<vmem>>, vector<16xf32>,
        tpu.vector_store %arg20[%swap3A_254], %add3A_208 {strides = array<i32>} : memref<16xf32, #tpu.memory_space<vmem>>, vector<16xf32>,
        %gather3A_256 = tpu.vector_load_idx %arg19[%masked_cummax3A_251] : memref<16xf32, #tpu.memory_space<vmem>>[vector<16xi32>], vector<16xf32>,
        %gather3A_257 = tpu.vector_load_idx %arg20[%masked_cummax3A_251] : memref<16xf32, #tpu.memory_space<vmem>>[vector<16xi32>], vector<16xf32>,
        %convert_element_type3A_258 = arith.sitofp %scan3A_220 : i32 to f32
        %eq3A_259 = arith.constant 0 : i32
        %eq3A_260 = vector.broadcast %eq3A_259 : i32 to vector<16xi32>
        %eq3A_261 = arith.cmpi eq, %masked_cummax3A_251, %eq3A_260 : vector<16xi32>
        %convert_element_type3A_262 = arith.sitofp %masked_cummax3A_251 : vector<16xi32> to vector<16xf32>
        %broadcast_in_dim3A_263 = vector.broadcast %convert_element_type3A_258 : f32 to vector<16xf32>
        %select_n3A_264 = arith.select %eq3A_261, %broadcast_in_dim3A_263, %gather3A_256 : vector<16xi1>, vector<16xf32>
        %add3A_265 = arith.constant 1.000000e+00 : f32
        %add3A_266 = vector.broadcast %add3A_265 : f32 to vector<16xf32>
        %add3A_267 = arith.addf %gather3A_257, %add3A_266 : vector<16xf32>
        %jit3A_268 = arith.constant 1.000000e+00 : f32
        %broadcast_in_dim3A_269 = vector.broadcast %jit3A_268 : f32 to vector<16xf32>
        %select_n3A_270 = arith.select %eq3A_261, %broadcast_in_dim3A_269, %add3A_267 : vector<16xi1>, vector<16xf32>
        %sub3A_271 = arith.subf %convert_element_type3A_3, %convert_element_type3A_262 : vector<16xf32>
        %add3A_272 = arith.addf %select_n3A_270, %sub3A_271 : vector<16xf32>
        %add3A_273 = arith.addf %add3A_240, %get3A_224 : vector<16xf32>
        %swap3A_274 = arith.index_cast %scan3A_220 : i32 to index
        %swap3A_275 = arith.constant 0 : index
        %swap3A_276 = tpu.vector_load %arg16[%swap3A_274, %swap3A_275] {strides = array<i32>} : memref<64x16xf32, #tpu.memory_space<vmem>>, vector<16xf32>,
        tpu.vector_store %arg16[%swap3A_274, %swap3A_275], %add3A_273 {strides = array<i32>} : memref<64x16xf32, #tpu.memory_space<vmem>>, vector<16xf32>,
        %swap3A_277 = arith.index_cast %scan3A_220 : i32 to index
        %swap3A_278 = arith.constant 0 : index
        %swap3A_279 = tpu.vector_load %arg17[%swap3A_277, %swap3A_278] {strides = array<i32>} : memref<64x16xf32, #tpu.memory_space<vmem>>, vector<16xf32>,
        tpu.vector_store %arg17[%swap3A_277, %swap3A_278], %select_n3A_264 {strides = array<i32>} : memref<64x16xf32, #tpu.memory_space<vmem>>, vector<16xf32>,
        %swap3A_280 = arith.index_cast %scan3A_220 : i32 to index
        %swap3A_281 = arith.constant 0 : index
        %swap3A_282 = tpu.vector_load %arg18[%swap3A_280, %swap3A_281] {strides = array<i32>} : memref<64x16xf32, #tpu.memory_space<vmem>>, vector<16xf32>,
        tpu.vector_store %arg18[%swap3A_280, %swap3A_281], %add3A_272 {strides = array<i32>} : memref<64x16xf32, #tpu.memory_space<vmem>>, vector<16xf32>,
        %scan3A_283 = arith.constant 3 : i32
        %scan3A_284 = arith.addi %scan3A_93, %scan3A_283 : i32
        %mul3A_285 = arith.constant 16 : i32
        %mul3A_286 = arith.muli %scan3A_284, %mul3A_285 : i32
        %get3A_287 = arith.index_cast %mul3A_286 : i32 to index
        %get3A_288 = tpu.vector_load %arg15[%get3A_287] {strides = array<i32>} : memref<1024xf32, #tpu.memory_space<vmem>>, vector<16xf32>,
        %mul3A_289 = arith.constant 16 : i32
        %mul3A_290 = arith.muli %scan3A_284, %mul3A_289 : i32
        %get3A_291 = arith.index_cast %mul3A_290 : i32 to index
        %get3A_292 = tpu.vector_load %arg14[%get3A_291] {strides = array<i32>} : memref<1024xf32, #tpu.memory_space<vmem>>, vector<16xf32>,
        %add3A_293 = arith.addf %add3A_240, %get3A_224 : vector<16xf32>
        %eq3A_294 = arith.constant 0 : i32
        %eq3A_295 = vector.broadcast %eq3A_294 : i32 to vector<16xi32>
        %eq3A_296 = arith.cmpi eq, %iota3A, %eq3A_295 : vector<16xi32>
        %jit3A_297 = arith.constant 0.000000e+00 : f32
        %broadcast_in_dim3A_298 = vector.broadcast %jit3A_297 : f32 to vector<16xf32>
        %select_n3A_299 = arith.select %eq3A_296, %broadcast_in_dim3A_298, %add3A_293 : vector<16xi1>, vector<16xf32>
        %sub3A_300 = arith.subf %select_n3A_299, %get3A_292 : vector<16xf32>
        %broadcast_in_dim3A_301 = arith.constant true
        %broadcast_in_dim3A_302 = vector.broadcast %broadcast_in_dim3A_301 : i1 to vector<16xi1>
        %masked_cummax3A_303 = tpu.scan <max>, %sub3A_300 masked %broadcast_in_dim3A_302 : vector<16xf32>, vector<16xi1> -> vector<16xf32>
        %add3A_304 = arith.addf %get3A_292, %masked_cummax3A_303 : vector<16xf32>
        %ge3A_305 = arith.cmpf oge, %sub3A_300, %masked_cummax3A_303 : vector<16xf32>
        %jit3A_306 = arith.constant -1 : i32
        %broadcast_in_dim3A_307 = vector.broadcast %jit3A_306 : i32 to vector<16xi32>
        %select_n3A_308 = arith.select %ge3A_305, %iota3A, %broadcast_in_dim3A_307 : vector<16xi1>, vector<16xi32>
        %broadcast_in_dim3A_309 = arith.constant true
        %broadcast_in_dim3A_310 = vector.broadcast %broadcast_in_dim3A_309 : i1 to vector<16xi1>
        %masked_cummax3A_311 = arith.constant -2147483648 : i32
        %masked_cummax3A_312 = vector.broadcast %masked_cummax3A_311 : i32 to vector<16xi32>
        %masked_cummax3A_313 = arith.xori %select_n3A_308, %masked_cummax3A_312 : vector<16xi32>
        %masked_cummax3A_314 = tpu.scan <max>, %masked_cummax3A_313 masked %broadcast_in_dim3A_310 : vector<16xi32>, vector<16xi1> -> vector<16xi32>
        %masked_cummax3A_315 = arith.xori %masked_cummax3A_314, %masked_cummax3A_312 : vector<16xi32>
        %swap3A_316 = arith.constant 0 : index
        %swap3A_317 = tpu.vector_load %arg19[%swap3A_316] {strides = array<i32>} : memref<16xf32, #tpu.memory_space<vmem>>, vector<16xf32>,
        tpu.vector_store %arg19[%swap3A_316], %select_n3A_264 {strides = array<i32>} : memref<16xf32, #tpu.memory_space<vmem>>, vector<16xf32>,
        %swap3A_318 = arith.constant 0 : index
        %swap3A_319 = tpu.vector_load %arg20[%swap3A_318] {strides = array<i32>} : memref<16xf32, #tpu.memory_space<vmem>>, vector<16xf32>,
        tpu.vector_store %arg20[%swap3A_318], %add3A_272 {strides = array<i32>} : memref<16xf32, #tpu.memory_space<vmem>>, vector<16xf32>,
        %gather3A_320 = tpu.vector_load_idx %arg19[%masked_cummax3A_315] : memref<16xf32, #tpu.memory_space<vmem>>[vector<16xi32>], vector<16xf32>,
        %gather3A_321 = tpu.vector_load_idx %arg20[%masked_cummax3A_315] : memref<16xf32, #tpu.memory_space<vmem>>[vector<16xi32>], vector<16xf32>,
        %convert_element_type3A_322 = arith.sitofp %scan3A_284 : i32 to f32
        %eq3A_323 = arith.constant 0 : i32
        %eq3A_324 = vector.broadcast %eq3A_323 : i32 to vector<16xi32>
        %eq3A_325 = arith.cmpi eq, %masked_cummax3A_315, %eq3A_324 : vector<16xi32>
        %convert_element_type3A_326 = arith.sitofp %masked_cummax3A_315 : vector<16xi32> to vector<16xf32>
        %broadcast_in_dim3A_327 = vector.broadcast %convert_element_type3A_322 : f32 to vector<16xf32>
        %select_n3A_328 = arith.select %eq3A_325, %broadcast_in_dim3A_327, %gather3A_320 : vector<16xi1>, vector<16xf32>
        %add3A_329 = arith.constant 1.000000e+00 : f32
        %add3A_330 = vector.broadcast %add3A_329 : f32 to vector<16xf32>
        %add3A_331 = arith.addf %gather3A_321, %add3A_330 : vector<16xf32>
        %jit3A_332 = arith.constant 1.000000e+00 : f32
        %broadcast_in_dim3A_333 = vector.broadcast %jit3A_332 : f32 to vector<16xf32>
        %select_n3A_334 = arith.select %eq3A_325, %broadcast_in_dim3A_333, %add3A_331 : vector<16xi1>, vector<16xf32>
        %sub3A_335 = arith.subf %convert_element_type3A_3, %convert_element_type3A_326 : vector<16xf32>
        %add3A_336 = arith.addf %select_n3A_334, %sub3A_335 : vector<16xf32>
        %add3A_337 = arith.addf %add3A_304, %get3A_288 : vector<16xf32>
        %swap3A_338 = arith.index_cast %scan3A_284 : i32 to index
        %swap3A_339 = arith.constant 0 : index
        %swap3A_340 = tpu.vector_load %arg16[%swap3A_338, %swap3A_339] {strides = array<i32>} : memref<64x16xf32, #tpu.memory_space<vmem>>, vector<16xf32>,
        tpu.vector_store %arg16[%swap3A_338, %swap3A_339], %add3A_337 {strides = array<i32>} : memref<64x16xf32, #tpu.memory_space<vmem>>, vector<16xf32>,
        %swap3A_341 = arith.index_cast %scan3A_284 : i32 to index
        %swap3A_342 = arith.constant 0 : index
        %swap3A_343 = tpu.vector_load %arg17[%swap3A_341, %swap3A_342] {strides = array<i32>} : memref<64x16xf32, #tpu.memory_space<vmem>>, vector<16xf32>,
        tpu.vector_store %arg17[%swap3A_341, %swap3A_342], %select_n3A_328 {strides = array<i32>} : memref<64x16xf32, #tpu.memory_space<vmem>>, vector<16xf32>,
        %swap3A_344 = arith.index_cast %scan3A_284 : i32 to index
        %swap3A_345 = arith.constant 0 : index
        %swap3A_346 = tpu.vector_load %arg18[%swap3A_344, %swap3A_345] {strides = array<i32>} : memref<64x16xf32, #tpu.memory_space<vmem>>, vector<16xf32>,
        tpu.vector_store %arg18[%swap3A_344, %swap3A_345], %add3A_336 {strides = array<i32>} : memref<64x16xf32, #tpu.memory_space<vmem>>, vector<16xf32>,
        %scan3A_347 = arith.constant 4 : i32
        %scan3A_348 = arith.addi %scan3A_93, %scan3A_347 : i32
        %mul3A_349 = arith.constant 16 : i32
        %mul3A_350 = arith.muli %scan3A_348, %mul3A_349 : i32
        %get3A_351 = arith.index_cast %mul3A_350 : i32 to index
        %get3A_352 = tpu.vector_load %arg15[%get3A_351] {strides = array<i32>} : memref<1024xf32, #tpu.memory_space<vmem>>, vector<16xf32>,
        %mul3A_353 = arith.constant 16 : i32
        %mul3A_354 = arith.muli %scan3A_348, %mul3A_353 : i32
        %get3A_355 = arith.index_cast %mul3A_354 : i32 to index
        %get3A_356 = tpu.vector_load %arg14[%get3A_355] {strides = array<i32>} : memref<1024xf32, #tpu.memory_space<vmem>>, vector<16xf32>,
        %add3A_357 = arith.addf %add3A_304, %get3A_288 : vector<16xf32>
        %eq3A_358 = arith.constant 0 : i32
        %eq3A_359 = vector.broadcast %eq3A_358 : i32 to vector<16xi32>
        %eq3A_360 = arith.cmpi eq, %iota3A, %eq3A_359 : vector<16xi32>
        %jit3A_361 = arith.constant 0.000000e+00 : f32
        %broadcast_in_dim3A_362 = vector.broadcast %jit3A_361 : f32 to vector<16xf32>
        %select_n3A_363 = arith.select %eq3A_360, %broadcast_in_dim3A_362, %add3A_357 : vector<16xi1>, vector<16xf32>
        %sub3A_364 = arith.subf %select_n3A_363, %get3A_356 : vector<16xf32>
        %broadcast_in_dim3A_365 = arith.constant true
        %broadcast_in_dim3A_366 = vector.broadcast %broadcast_in_dim3A_365 : i1 to vector<16xi1>
        %masked_cummax3A_367 = tpu.scan <max>, %sub3A_364 masked %broadcast_in_dim3A_366 : vector<16xf32>, vector<16xi1> -> vector<16xf32>
        %add3A_368 = arith.addf %get3A_356, %masked_cummax3A_367 : vector<16xf32>
        %ge3A_369 = arith.cmpf oge, %sub3A_364, %masked_cummax3A_367 : vector<16xf32>
        %jit3A_370 = arith.constant -1 : i32
        %broadcast_in_dim3A_371 = vector.broadcast %jit3A_370 : i32 to vector<16xi32>
        %select_n3A_372 = arith.select %ge3A_369, %iota3A, %broadcast_in_dim3A_371 : vector<16xi1>, vector<16xi32>
        %broadcast_in_dim3A_373 = arith.constant true
        %broadcast_in_dim3A_374 = vector.broadcast %broadcast_in_dim3A_373 : i1 to vector<16xi1>
        %masked_cummax3A_375 = arith.constant -2147483648 : i32
        %masked_cummax3A_376 = vector.broadcast %masked_cummax3A_375 : i32 to vector<16xi32>
        %masked_cummax3A_377 = arith.xori %select_n3A_372, %masked_cummax3A_376 : vector<16xi32>
        %masked_cummax3A_378 = tpu.scan <max>, %masked_cummax3A_377 masked %broadcast_in_dim3A_374 : vector<16xi32>, vector<16xi1> -> vector<16xi32>
        %masked_cummax3A_379 = arith.xori %masked_cummax3A_378, %masked_cummax3A_376 : vector<16xi32>
        %swap3A_380 = arith.constant 0 : index
        %swap3A_381 = tpu.vector_load %arg19[%swap3A_380] {strides = array<i32>} : memref<16xf32, #tpu.memory_space<vmem>>, vector<16xf32>,
        tpu.vector_store %arg19[%swap3A_380], %select_n3A_328 {strides = array<i32>} : memref<16xf32, #tpu.memory_space<vmem>>, vector<16xf32>,
        %swap3A_382 = arith.constant 0 : index
        %swap3A_383 = tpu.vector_load %arg20[%swap3A_382] {strides = array<i32>} : memref<16xf32, #tpu.memory_space<vmem>>, vector<16xf32>,
        tpu.vector_store %arg20[%swap3A_382], %add3A_336 {strides = array<i32>} : memref<16xf32, #tpu.memory_space<vmem>>, vector<16xf32>,
        %gather3A_384 = tpu.vector_load_idx %arg19[%masked_cummax3A_379] : memref<16xf32, #tpu.memory_space<vmem>>[vector<16xi32>], vector<16xf32>,
        %gather3A_385 = tpu.vector_load_idx %arg20[%masked_cummax3A_379] : memref<16xf32, #tpu.memory_space<vmem>>[vector<16xi32>], vector<16xf32>,
        %convert_element_type3A_386 = arith.sitofp %scan3A_348 : i32 to f32
        %eq3A_387 = arith.constant 0 : i32
        %eq3A_388 = vector.broadcast %eq3A_387 : i32 to vector<16xi32>
        %eq3A_389 = arith.cmpi eq, %masked_cummax3A_379, %eq3A_388 : vector<16xi32>
        %convert_element_type3A_390 = arith.sitofp %masked_cummax3A_379 : vector<16xi32> to vector<16xf32>
        %broadcast_in_dim3A_391 = vector.broadcast %convert_element_type3A_386 : f32 to vector<16xf32>
        %select_n3A_392 = arith.select %eq3A_389, %broadcast_in_dim3A_391, %gather3A_384 : vector<16xi1>, vector<16xf32>
        %add3A_393 = arith.constant 1.000000e+00 : f32
        %add3A_394 = vector.broadcast %add3A_393 : f32 to vector<16xf32>
        %add3A_395 = arith.addf %gather3A_385, %add3A_394 : vector<16xf32>
        %jit3A_396 = arith.constant 1.000000e+00 : f32
        %broadcast_in_dim3A_397 = vector.broadcast %jit3A_396 : f32 to vector<16xf32>
        %select_n3A_398 = arith.select %eq3A_389, %broadcast_in_dim3A_397, %add3A_395 : vector<16xi1>, vector<16xf32>
        %sub3A_399 = arith.subf %convert_element_type3A_3, %convert_element_type3A_390 : vector<16xf32>
        %add3A_400 = arith.addf %select_n3A_398, %sub3A_399 : vector<16xf32>
        %add3A_401 = arith.addf %add3A_368, %get3A_352 : vector<16xf32>
        %swap3A_402 = arith.index_cast %scan3A_348 : i32 to index
        %swap3A_403 = arith.constant 0 : index
        %swap3A_404 = tpu.vector_load %arg16[%swap3A_402, %swap3A_403] {strides = array<i32>} : memref<64x16xf32, #tpu.memory_space<vmem>>, vector<16xf32>,
        tpu.vector_store %arg16[%swap3A_402, %swap3A_403], %add3A_401 {strides = array<i32>} : memref<64x16xf32, #tpu.memory_space<vmem>>, vector<16xf32>,
        %swap3A_405 = arith.index_cast %scan3A_348 : i32 to index
        %swap3A_406 = arith.constant 0 : index
        %swap3A_407 = tpu.vector_load %arg17[%swap3A_405, %swap3A_406] {strides = array<i32>} : memref<64x16xf32, #tpu.memory_space<vmem>>, vector<16xf32>,
        tpu.vector_store %arg17[%swap3A_405, %swap3A_406], %select_n3A_392 {strides = array<i32>} : memref<64x16xf32, #tpu.memory_space<vmem>>, vector<16xf32>,
        %swap3A_408 = arith.index_cast %scan3A_348 : i32 to index
        %swap3A_409 = arith.constant 0 : index
        %swap3A_410 = tpu.vector_load %arg18[%swap3A_408, %swap3A_409] {strides = array<i32>} : memref<64x16xf32, #tpu.memory_space<vmem>>, vector<16xf32>,
        tpu.vector_store %arg18[%swap3A_408, %swap3A_409], %add3A_400 {strides = array<i32>} : memref<64x16xf32, #tpu.memory_space<vmem>>, vector<16xf32>,
        %scan3A_411 = arith.constant 5 : i32
        %scan3A_412 = arith.addi %scan3A_93, %scan3A_411 : i32
        %mul3A_413 = arith.constant 16 : i32
        %mul3A_414 = arith.muli %scan3A_412, %mul3A_413 : i32
        %get3A_415 = arith.index_cast %mul3A_414 : i32 to index
        %get3A_416 = tpu.vector_load %arg15[%get3A_415] {strides = array<i32>} : memref<1024xf32, #tpu.memory_space<vmem>>, vector<16xf32>,
        %mul3A_417 = arith.constant 16 : i32
        %mul3A_418 = arith.muli %scan3A_412, %mul3A_417 : i32
        %get3A_419 = arith.index_cast %mul3A_418 : i32 to index
        %get3A_420 = tpu.vector_load %arg14[%get3A_419] {strides = array<i32>} : memref<1024xf32, #tpu.memory_space<vmem>>, vector<16xf32>,
        %add3A_421 = arith.addf %add3A_368, %get3A_352 : vector<16xf32>
        %eq3A_422 = arith.constant 0 : i32
        %eq3A_423 = vector.broadcast %eq3A_422 : i32 to vector<16xi32>
        %eq3A_424 = arith.cmpi eq, %iota3A, %eq3A_423 : vector<16xi32>
        %jit3A_425 = arith.constant 0.000000e+00 : f32
        %broadcast_in_dim3A_426 = vector.broadcast %jit3A_425 : f32 to vector<16xf32>
        %select_n3A_427 = arith.select %eq3A_424, %broadcast_in_dim3A_426, %add3A_421 : vector<16xi1>, vector<16xf32>
        %sub3A_428 = arith.subf %select_n3A_427, %get3A_420 : vector<16xf32>
        %broadcast_in_dim3A_429 = arith.constant true
        %broadcast_in_dim3A_430 = vector.broadcast %broadcast_in_dim3A_429 : i1 to vector<16xi1>
        %masked_cummax3A_431 = tpu.scan <max>, %sub3A_428 masked %broadcast_in_dim3A_430 : vector<16xf32>, vector<16xi1> -> vector<16xf32>
        %add3A_432 = arith.addf %get3A_420, %masked_cummax3A_431 : vector<16xf32>
        %ge3A_433 = arith.cmpf oge, %sub3A_428, %masked_cummax3A_431 : vector<16xf32>
        %jit3A_434 = arith.constant -1 : i32
        %broadcast_in_dim3A_435 = vector.broadcast %jit3A_434 : i32 to vector<16xi32>
        %select_n3A_436 = arith.select %ge3A_433, %iota3A, %broadcast_in_dim3A_435 : vector<16xi1>, vector<16xi32>
        %broadcast_in_dim3A_437 = arith.constant true
        %broadcast_in_dim3A_438 = vector.broadcast %broadcast_in_dim3A_437 : i1 to vector<16xi1>
        %masked_cummax3A_439 = arith.constant -2147483648 : i32
        %masked_cummax3A_440 = vector.broadcast %masked_cummax3A_439 : i32 to vector<16xi32>
        %masked_cummax3A_441 = arith.xori %select_n3A_436, %masked_cummax3A_440 : vector<16xi32>
        %masked_cummax3A_442 = tpu.scan <max>, %masked_cummax3A_441 masked %broadcast_in_dim3A_438 : vector<16xi32>, vector<16xi1> -> vector<16xi32>
        %masked_cummax3A_443 = arith.xori %masked_cummax3A_442, %masked_cummax3A_440 : vector<16xi32>
        %swap3A_444 = arith.constant 0 : index
        %swap3A_445 = tpu.vector_load %arg19[%swap3A_444] {strides = array<i32>} : memref<16xf32, #tpu.memory_space<vmem>>, vector<16xf32>,
        tpu.vector_store %arg19[%swap3A_444], %select_n3A_392 {strides = array<i32>} : memref<16xf32, #tpu.memory_space<vmem>>, vector<16xf32>,
        %swap3A_446 = arith.constant 0 : index
        %swap3A_447 = tpu.vector_load %arg20[%swap3A_446] {strides = array<i32>} : memref<16xf32, #tpu.memory_space<vmem>>, vector<16xf32>,
        tpu.vector_store %arg20[%swap3A_446], %add3A_400 {strides = array<i32>} : memref<16xf32, #tpu.memory_space<vmem>>, vector<16xf32>,
        %gather3A_448 = tpu.vector_load_idx %arg19[%masked_cummax3A_443] : memref<16xf32, #tpu.memory_space<vmem>>[vector<16xi32>], vector<16xf32>,
        %gather3A_449 = tpu.vector_load_idx %arg20[%masked_cummax3A_443] : memref<16xf32, #tpu.memory_space<vmem>>[vector<16xi32>], vector<16xf32>,
        %convert_element_type3A_450 = arith.sitofp %scan3A_412 : i32 to f32
        %eq3A_451 = arith.constant 0 : i32
        %eq3A_452 = vector.broadcast %eq3A_451 : i32 to vector<16xi32>
        %eq3A_453 = arith.cmpi eq, %masked_cummax3A_443, %eq3A_452 : vector<16xi32>
        %convert_element_type3A_454 = arith.sitofp %masked_cummax3A_443 : vector<16xi32> to vector<16xf32>
        %broadcast_in_dim3A_455 = vector.broadcast %convert_element_type3A_450 : f32 to vector<16xf32>
        %select_n3A_456 = arith.select %eq3A_453, %broadcast_in_dim3A_455, %gather3A_448 : vector<16xi1>, vector<16xf32>
        %add3A_457 = arith.constant 1.000000e+00 : f32
        %add3A_458 = vector.broadcast %add3A_457 : f32 to vector<16xf32>
        %add3A_459 = arith.addf %gather3A_449, %add3A_458 : vector<16xf32>
        %jit3A_460 = arith.constant 1.000000e+00 : f32
        %broadcast_in_dim3A_461 = vector.broadcast %jit3A_460 : f32 to vector<16xf32>
        %select_n3A_462 = arith.select %eq3A_453, %broadcast_in_dim3A_461, %add3A_459 : vector<16xi1>, vector<16xf32>
        %sub3A_463 = arith.subf %convert_element_type3A_3, %convert_element_type3A_454 : vector<16xf32>
        %add3A_464 = arith.addf %select_n3A_462, %sub3A_463 : vector<16xf32>
        %add3A_465 = arith.addf %add3A_432, %get3A_416 : vector<16xf32>
        %swap3A_466 = arith.index_cast %scan3A_412 : i32 to index
        %swap3A_467 = arith.constant 0 : index
        %swap3A_468 = tpu.vector_load %arg16[%swap3A_466, %swap3A_467] {strides = array<i32>} : memref<64x16xf32, #tpu.memory_space<vmem>>, vector<16xf32>,
        tpu.vector_store %arg16[%swap3A_466, %swap3A_467], %add3A_465 {strides = array<i32>} : memref<64x16xf32, #tpu.memory_space<vmem>>, vector<16xf32>,
        %swap3A_469 = arith.index_cast %scan3A_412 : i32 to index
        %swap3A_470 = arith.constant 0 : index
        %swap3A_471 = tpu.vector_load %arg17[%swap3A_469, %swap3A_470] {strides = array<i32>} : memref<64x16xf32, #tpu.memory_space<vmem>>, vector<16xf32>,
        tpu.vector_store %arg17[%swap3A_469, %swap3A_470], %select_n3A_456 {strides = array<i32>} : memref<64x16xf32, #tpu.memory_space<vmem>>, vector<16xf32>,
        %swap3A_472 = arith.index_cast %scan3A_412 : i32 to index
        %swap3A_473 = arith.constant 0 : index
        %swap3A_474 = tpu.vector_load %arg18[%swap3A_472, %swap3A_473] {strides = array<i32>} : memref<64x16xf32, #tpu.memory_space<vmem>>, vector<16xf32>,
        tpu.vector_store %arg18[%swap3A_472, %swap3A_473], %add3A_464 {strides = array<i32>} : memref<64x16xf32, #tpu.memory_space<vmem>>, vector<16xf32>,
        %scan3A_475 = arith.constant 6 : i32
        %scan3A_476 = arith.addi %scan3A_93, %scan3A_475 : i32
        %mul3A_477 = arith.constant 16 : i32
        %mul3A_478 = arith.muli %scan3A_476, %mul3A_477 : i32
        %get3A_479 = arith.index_cast %mul3A_478 : i32 to index
        %get3A_480 = tpu.vector_load %arg15[%get3A_479] {strides = array<i32>} : memref<1024xf32, #tpu.memory_space<vmem>>, vector<16xf32>,
        %mul3A_481 = arith.constant 16 : i32
        %mul3A_482 = arith.muli %scan3A_476, %mul3A_481 : i32
        %get3A_483 = arith.index_cast %mul3A_482 : i32 to index
        %get3A_484 = tpu.vector_load %arg14[%get3A_483] {strides = array<i32>} : memref<1024xf32, #tpu.memory_space<vmem>>, vector<16xf32>,
        %add3A_485 = arith.addf %add3A_432, %get3A_416 : vector<16xf32>
        %eq3A_486 = arith.constant 0 : i32
        %eq3A_487 = vector.broadcast %eq3A_486 : i32 to vector<16xi32>
        %eq3A_488 = arith.cmpi eq, %iota3A, %eq3A_487 : vector<16xi32>
        %jit3A_489 = arith.constant 0.000000e+00 : f32
        %broadcast_in_dim3A_490 = vector.broadcast %jit3A_489 : f32 to vector<16xf32>
        %select_n3A_491 = arith.select %eq3A_488, %broadcast_in_dim3A_490, %add3A_485 : vector<16xi1>, vector<16xf32>
        %sub3A_492 = arith.subf %select_n3A_491, %get3A_484 : vector<16xf32>
        %broadcast_in_dim3A_493 = arith.constant true
        %broadcast_in_dim3A_494 = vector.broadcast %broadcast_in_dim3A_493 : i1 to vector<16xi1>
        %masked_cummax3A_495 = tpu.scan <max>, %sub3A_492 masked %broadcast_in_dim3A_494 : vector<16xf32>, vector<16xi1> -> vector<16xf32>
        %add3A_496 = arith.addf %get3A_484, %masked_cummax3A_495 : vector<16xf32>
        %ge3A_497 = arith.cmpf oge, %sub3A_492, %masked_cummax3A_495 : vector<16xf32>
        %jit3A_498 = arith.constant -1 : i32
        %broadcast_in_dim3A_499 = vector.broadcast %jit3A_498 : i32 to vector<16xi32>
        %select_n3A_500 = arith.select %ge3A_497, %iota3A, %broadcast_in_dim3A_499 : vector<16xi1>, vector<16xi32>
        %broadcast_in_dim3A_501 = arith.constant true
        %broadcast_in_dim3A_502 = vector.broadcast %broadcast_in_dim3A_501 : i1 to vector<16xi1>
        %masked_cummax3A_503 = arith.constant -2147483648 : i32
        %masked_cummax3A_504 = vector.broadcast %masked_cummax3A_503 : i32 to vector<16xi32>
        %masked_cummax3A_505 = arith.xori %select_n3A_500, %masked_cummax3A_504 : vector<16xi32>
        %masked_cummax3A_506 = tpu.scan <max>, %masked_cummax3A_505 masked %broadcast_in_dim3A_502 : vector<16xi32>, vector<16xi1> -> vector<16xi32>
        %masked_cummax3A_507 = arith.xori %masked_cummax3A_506, %masked_cummax3A_504 : vector<16xi32>
        %swap3A_508 = arith.constant 0 : index
        %swap3A_509 = tpu.vector_load %arg19[%swap3A_508] {strides = array<i32>} : memref<16xf32, #tpu.memory_space<vmem>>, vector<16xf32>,
        tpu.vector_store %arg19[%swap3A_508], %select_n3A_456 {strides = array<i32>} : memref<16xf32, #tpu.memory_space<vmem>>, vector<16xf32>,
        %swap3A_510 = arith.constant 0 : index
        %swap3A_511 = tpu.vector_load %arg20[%swap3A_510] {strides = array<i32>} : memref<16xf32, #tpu.memory_space<vmem>>, vector<16xf32>,
        tpu.vector_store %arg20[%swap3A_510], %add3A_464 {strides = array<i32>} : memref<16xf32, #tpu.memory_space<vmem>>, vector<16xf32>,
        %gather3A_512 = tpu.vector_load_idx %arg19[%masked_cummax3A_507] : memref<16xf32, #tpu.memory_space<vmem>>[vector<16xi32>], vector<16xf32>,
        %gather3A_513 = tpu.vector_load_idx %arg20[%masked_cummax3A_507] : memref<16xf32, #tpu.memory_space<vmem>>[vector<16xi32>], vector<16xf32>,
        %convert_element_type3A_514 = arith.sitofp %scan3A_476 : i32 to f32
        %eq3A_515 = arith.constant 0 : i32
        %eq3A_516 = vector.broadcast %eq3A_515 : i32 to vector<16xi32>
        %eq3A_517 = arith.cmpi eq, %masked_cummax3A_507, %eq3A_516 : vector<16xi32>
        %convert_element_type3A_518 = arith.sitofp %masked_cummax3A_507 : vector<16xi32> to vector<16xf32>
        %broadcast_in_dim3A_519 = vector.broadcast %convert_element_type3A_514 : f32 to vector<16xf32>
        %select_n3A_520 = arith.select %eq3A_517, %broadcast_in_dim3A_519, %gather3A_512 : vector<16xi1>, vector<16xf32>
        %add3A_521 = arith.constant 1.000000e+00 : f32
        %add3A_522 = vector.broadcast %add3A_521 : f32 to vector<16xf32>
        %add3A_523 = arith.addf %gather3A_513, %add3A_522 : vector<16xf32>
        %jit3A_524 = arith.constant 1.000000e+00 : f32
        %broadcast_in_dim3A_525 = vector.broadcast %jit3A_524 : f32 to vector<16xf32>
        %select_n3A_526 = arith.select %eq3A_517, %broadcast_in_dim3A_525, %add3A_523 : vector<16xi1>, vector<16xf32>
        %sub3A_527 = arith.subf %convert_element_type3A_3, %convert_element_type3A_518 : vector<16xf32>
        %add3A_528 = arith.addf %select_n3A_526, %sub3A_527 : vector<16xf32>
        %add3A_529 = arith.addf %add3A_496, %get3A_480 : vector<16xf32>
        %swap3A_530 = arith.index_cast %scan3A_476 : i32 to index
        %swap3A_531 = arith.constant 0 : index
        %swap3A_532 = tpu.vector_load %arg16[%swap3A_530, %swap3A_531] {strides = array<i32>} : memref<64x16xf32, #tpu.memory_space<vmem>>, vector<16xf32>,
        tpu.vector_store %arg16[%swap3A_530, %swap3A_531], %add3A_529 {strides = array<i32>} : memref<64x16xf32, #tpu.memory_space<vmem>>, vector<16xf32>,
        %swap3A_533 = arith.index_cast %scan3A_476 : i32 to index
        %swap3A_534 = arith.constant 0 : index
        %swap3A_535 = tpu.vector_load %arg17[%swap3A_533, %swap3A_534] {strides = array<i32>} : memref<64x16xf32, #tpu.memory_space<vmem>>, vector<16xf32>,
        tpu.vector_store %arg17[%swap3A_533, %swap3A_534], %select_n3A_520 {strides = array<i32>} : memref<64x16xf32, #tpu.memory_space<vmem>>, vector<16xf32>,
        %swap3A_536 = arith.index_cast %scan3A_476 : i32 to index
        %swap3A_537 = arith.constant 0 : index
        %swap3A_538 = tpu.vector_load %arg18[%swap3A_536, %swap3A_537] {strides = array<i32>} : memref<64x16xf32, #tpu.memory_space<vmem>>, vector<16xf32>,
        tpu.vector_store %arg18[%swap3A_536, %swap3A_537], %add3A_528 {strides = array<i32>} : memref<64x16xf32, #tpu.memory_space<vmem>>, vector<16xf32>,
        %scan3A_539 = arith.constant 7 : i32
        %scan3A_540 = arith.addi %scan3A_93, %scan3A_539 : i32
        %mul3A_541 = arith.constant 16 : i32
        %mul3A_542 = arith.muli %scan3A_540, %mul3A_541 : i32
        %get3A_543 = arith.index_cast %mul3A_542 : i32 to index
        %get3A_544 = tpu.vector_load %arg15[%get3A_543] {strides = array<i32>} : memref<1024xf32, #tpu.memory_space<vmem>>, vector<16xf32>,
        %mul3A_545 = arith.constant 16 : i32
        %mul3A_546 = arith.muli %scan3A_540, %mul3A_545 : i32
        %get3A_547 = arith.index_cast %mul3A_546 : i32 to index
        %get3A_548 = tpu.vector_load %arg14[%get3A_547] {strides = array<i32>} : memref<1024xf32, #tpu.memory_space<vmem>>, vector<16xf32>,
        %add3A_549 = arith.addf %add3A_496, %get3A_480 : vector<16xf32>
        %eq3A_550 = arith.constant 0 : i32
        %eq3A_551 = vector.broadcast %eq3A_550 : i32 to vector<16xi32>
        %eq3A_552 = arith.cmpi eq, %iota3A, %eq3A_551 : vector<16xi32>
        %jit3A_553 = arith.constant 0.000000e+00 : f32
        %broadcast_in_dim3A_554 = vector.broadcast %jit3A_553 : f32 to vector<16xf32>
        %select_n3A_555 = arith.select %eq3A_552, %broadcast_in_dim3A_554, %add3A_549 : vector<16xi1>, vector<16xf32>
        %sub3A_556 = arith.subf %select_n3A_555, %get3A_548 : vector<16xf32>
        %broadcast_in_dim3A_557 = arith.constant true
        %broadcast_in_dim3A_558 = vector.broadcast %broadcast_in_dim3A_557 : i1 to vector<16xi1>
        %masked_cummax3A_559 = tpu.scan <max>, %sub3A_556 masked %broadcast_in_dim3A_558 : vector<16xf32>, vector<16xi1> -> vector<16xf32>
        %add3A_560 = arith.addf %get3A_548, %masked_cummax3A_559 : vector<16xf32>
        %ge3A_561 = arith.cmpf oge, %sub3A_556, %masked_cummax3A_559 : vector<16xf32>
        %jit3A_562 = arith.constant -1 : i32
        %broadcast_in_dim3A_563 = vector.broadcast %jit3A_562 : i32 to vector<16xi32>
        %select_n3A_564 = arith.select %ge3A_561, %iota3A, %broadcast_in_dim3A_563 : vector<16xi1>, vector<16xi32>
        %broadcast_in_dim3A_565 = arith.constant true
        %broadcast_in_dim3A_566 = vector.broadcast %broadcast_in_dim3A_565 : i1 to vector<16xi1>
        %masked_cummax3A_567 = arith.constant -2147483648 : i32
        %masked_cummax3A_568 = vector.broadcast %masked_cummax3A_567 : i32 to vector<16xi32>
        %masked_cummax3A_569 = arith.xori %select_n3A_564, %masked_cummax3A_568 : vector<16xi32>
        %masked_cummax3A_570 = tpu.scan <max>, %masked_cummax3A_569 masked %broadcast_in_dim3A_566 : vector<16xi32>, vector<16xi1> -> vector<16xi32>
        %masked_cummax3A_571 = arith.xori %masked_cummax3A_570, %masked_cummax3A_568 : vector<16xi32>
        %swap3A_572 = arith.constant 0 : index
        %swap3A_573 = tpu.vector_load %arg19[%swap3A_572] {strides = array<i32>} : memref<16xf32, #tpu.memory_space<vmem>>, vector<16xf32>,
        tpu.vector_store %arg19[%swap3A_572], %select_n3A_520 {strides = array<i32>} : memref<16xf32, #tpu.memory_space<vmem>>, vector<16xf32>,
        %swap3A_574 = arith.constant 0 : index
        %swap3A_575 = tpu.vector_load %arg20[%swap3A_574] {strides = array<i32>} : memref<16xf32, #tpu.memory_space<vmem>>, vector<16xf32>,
        tpu.vector_store %arg20[%swap3A_574], %add3A_528 {strides = array<i32>} : memref<16xf32, #tpu.memory_space<vmem>>, vector<16xf32>,
        %gather3A_576 = tpu.vector_load_idx %arg19[%masked_cummax3A_571] : memref<16xf32, #tpu.memory_space<vmem>>[vector<16xi32>], vector<16xf32>,
        %gather3A_577 = tpu.vector_load_idx %arg20[%masked_cummax3A_571] : memref<16xf32, #tpu.memory_space<vmem>>[vector<16xi32>], vector<16xf32>,
        %convert_element_type3A_578 = arith.sitofp %scan3A_540 : i32 to f32
        %eq3A_579 = arith.constant 0 : i32
        %eq3A_580 = vector.broadcast %eq3A_579 : i32 to vector<16xi32>
        %eq3A_581 = arith.cmpi eq, %masked_cummax3A_571, %eq3A_580 : vector<16xi32>
        %convert_element_type3A_582 = arith.sitofp %masked_cummax3A_571 : vector<16xi32> to vector<16xf32>
        %broadcast_in_dim3A_583 = vector.broadcast %convert_element_type3A_578 : f32 to vector<16xf32>
        %select_n3A_584 = arith.select %eq3A_581, %broadcast_in_dim3A_583, %gather3A_576 : vector<16xi1>, vector<16xf32>
        %add3A_585 = arith.constant 1.000000e+00 : f32
        %add3A_586 = vector.broadcast %add3A_585 : f32 to vector<16xf32>
        %add3A_587 = arith.addf %gather3A_577, %add3A_586 : vector<16xf32>
        %jit3A_588 = arith.constant 1.000000e+00 : f32
        %broadcast_in_dim3A_589 = vector.broadcast %jit3A_588 : f32 to vector<16xf32>
        %select_n3A_590 = arith.select %eq3A_581, %broadcast_in_dim3A_589, %add3A_587 : vector<16xi1>, vector<16xf32>
        %sub3A_591 = arith.subf %convert_element_type3A_3, %convert_element_type3A_582 : vector<16xf32>
        %add3A_592 = arith.addf %select_n3A_590, %sub3A_591 : vector<16xf32>
        %add3A_593 = arith.addf %add3A_560, %get3A_544 : vector<16xf32>
        %swap3A_594 = arith.index_cast %scan3A_540 : i32 to index
        %swap3A_595 = arith.constant 0 : index
        %swap3A_596 = tpu.vector_load %arg16[%swap3A_594, %swap3A_595] {strides = array<i32>} : memref<64x16xf32, #tpu.memory_space<vmem>>, vector<16xf32>,
        tpu.vector_store %arg16[%swap3A_594, %swap3A_595], %add3A_593 {strides = array<i32>} : memref<64x16xf32, #tpu.memory_space<vmem>>, vector<16xf32>,
        %swap3A_597 = arith.index_cast %scan3A_540 : i32 to index
        %swap3A_598 = arith.constant 0 : index
        %swap3A_599 = tpu.vector_load %arg17[%swap3A_597, %swap3A_598] {strides = array<i32>} : memref<64x16xf32, #tpu.memory_space<vmem>>, vector<16xf32>,
        tpu.vector_store %arg17[%swap3A_597, %swap3A_598], %select_n3A_584 {strides = array<i32>} : memref<64x16xf32, #tpu.memory_space<vmem>>, vector<16xf32>,
        %swap3A_600 = arith.index_cast %scan3A_540 : i32 to index
        %swap3A_601 = arith.constant 0 : index
        %swap3A_602 = tpu.vector_load %arg18[%swap3A_600, %swap3A_601] {strides = array<i32>} : memref<64x16xf32, #tpu.memory_space<vmem>>, vector<16xf32>,
        tpu.vector_store %arg18[%swap3A_600, %swap3A_601], %add3A_592 {strides = array<i32>} : memref<64x16xf32, #tpu.memory_space<vmem>>, vector<16xf32>,
        scf.yield %add3A_560, %select_n3A_584, %add3A_592, %get3A_544 : vector<16xf32>, vector<16xf32>, vector<16xf32>, vector<16xf32>
      }
      %scan3A_34 = arith.constant 64 : i32
      %add3A_35 = arith.constant 0 : i32
      %add3A_36 = vector.broadcast %add3A_35 : i32 to vector<16xi32>
      %add3A_37 = arith.addi %iota3A, %add3A_36 : vector<16xi32>
      %gather3A = tpu.vector_load_idx %arg16[%add3A_37, %get3A_6] : memref<64x16xf32, #tpu.memory_space<vmem>>[vector<16xi32>, vector<16xi32>], vector<16xf32>,
      %swap3A = arith.constant 0 : index
      %swap3A_38 = tpu.vector_load %arg21[%swap3A] {strides = array<i32>} : memref<64xf32, #tpu.memory_space<vmem>>, vector<16xf32>,
      tpu.vector_store %arg21[%swap3A], %gather3A {strides = array<i32>} : memref<64xf32, #tpu.memory_space<vmem>>, vector<16xf32>,
      %gather3A_39 = tpu.vector_load_idx %arg17[%add3A_37, %get3A_6] : memref<64x16xf32, #tpu.memory_space<vmem>>[vector<16xi32>, vector<16xi32>], vector<16xf32>,
      %swap3A_40 = arith.constant 0 : index
      %swap3A_41 = tpu.vector_load %arg22[%swap3A_40] {strides = array<i32>} : memref<64xf32, #tpu.memory_space<vmem>>, vector<16xf32>,
      tpu.vector_store %arg22[%swap3A_40], %gather3A_39 {strides = array<i32>} : memref<64xf32, #tpu.memory_space<vmem>>, vector<16xf32>,
      %gather3A_42 = tpu.vector_load_idx %arg18[%add3A_37, %get3A_6] : memref<64x16xf32, #tpu.memory_space<vmem>>[vector<16xi32>, vector<16xi32>], vector<16xf32>,
      %add3A_43 = arith.constant 1.000000e+00 : f32
      %add3A_44 = vector.broadcast %add3A_43 : f32 to vector<16xf32>
      %add3A_45 = arith.addf %gather3A_42, %add3A_44 : vector<16xf32>
      %swap3A_46 = arith.constant 0 : index
      %swap3A_47 = tpu.vector_load %arg23[%swap3A_46] {strides = array<i32>} : memref<64xf32, #tpu.memory_space<vmem>>, vector<16xf32>,
      tpu.vector_store %arg23[%swap3A_46], %add3A_45 {strides = array<i32>} : memref<64xf32, #tpu.memory_space<vmem>>, vector<16xf32>,
      %add3A_48 = arith.constant 16 : i32
      %add3A_49 = vector.broadcast %add3A_48 : i32 to vector<16xi32>
      %add3A_50 = arith.addi %iota3A, %add3A_49 : vector<16xi32>
      %gather3A_51 = tpu.vector_load_idx %arg16[%add3A_50, %get3A_6] : memref<64x16xf32, #tpu.memory_space<vmem>>[vector<16xi32>, vector<16xi32>], vector<16xf32>,
      %swap3A_52 = arith.constant 16 : index
      %swap3A_53 = tpu.vector_load %arg21[%swap3A_52] {strides = array<i32>} : memref<64xf32, #tpu.memory_space<vmem>>, vector<16xf32>,
      tpu.vector_store %arg21[%swap3A_52], %gather3A_51 {strides = array<i32>} : memref<64xf32, #tpu.memory_space<vmem>>, vector<16xf32>,
      %gather3A_54 = tpu.vector_load_idx %arg17[%add3A_50, %get3A_6] : memref<64x16xf32, #tpu.memory_space<vmem>>[vector<16xi32>, vector<16xi32>], vector<16xf32>,
      %swap3A_55 = arith.constant 16 : index
      %swap3A_56 = tpu.vector_load %arg22[%swap3A_55] {strides = array<i32>} : memref<64xf32, #tpu.memory_space<vmem>>, vector<16xf32>,
      tpu.vector_store %arg22[%swap3A_55], %gather3A_54 {strides = array<i32>} : memref<64xf32, #tpu.memory_space<vmem>>, vector<16xf32>,
      %gather3A_57 = tpu.vector_load_idx %arg18[%add3A_50, %get3A_6] : memref<64x16xf32, #tpu.memory_space<vmem>>[vector<16xi32>, vector<16xi32>], vector<16xf32>,
      %add3A_58 = arith.constant 1.000000e+00 : f32
      %add3A_59 = vector.broadcast %add3A_58 : f32 to vector<16xf32>
      %add3A_60 = arith.addf %gather3A_57, %add3A_59 : vector<16xf32>
      %swap3A_61 = arith.constant 16 : index
      %swap3A_62 = tpu.vector_load %arg23[%swap3A_61] {strides = array<i32>} : memref<64xf32, #tpu.memory_space<vmem>>, vector<16xf32>,
      tpu.vector_store %arg23[%swap3A_61], %add3A_60 {strides = array<i32>} : memref<64xf32, #tpu.memory_space<vmem>>, vector<16xf32>,
      %add3A_63 = arith.constant 32 : i32
      %add3A_64 = vector.broadcast %add3A_63 : i32 to vector<16xi32>
      %add3A_65 = arith.addi %iota3A, %add3A_64 : vector<16xi32>
      %gather3A_66 = tpu.vector_load_idx %arg16[%add3A_65, %get3A_6] : memref<64x16xf32, #tpu.memory_space<vmem>>[vector<16xi32>, vector<16xi32>], vector<16xf32>,
      %swap3A_67 = arith.constant 32 : index
      %swap3A_68 = tpu.vector_load %arg21[%swap3A_67] {strides = array<i32>} : memref<64xf32, #tpu.memory_space<vmem>>, vector<16xf32>,
      tpu.vector_store %arg21[%swap3A_67], %gather3A_66 {strides = array<i32>} : memref<64xf32, #tpu.memory_space<vmem>>, vector<16xf32>,
      %gather3A_69 = tpu.vector_load_idx %arg17[%add3A_65, %get3A_6] : memref<64x16xf32, #tpu.memory_space<vmem>>[vector<16xi32>, vector<16xi32>], vector<16xf32>,
      %swap3A_70 = arith.constant 32 : index
      %swap3A_71 = tpu.vector_load %arg22[%swap3A_70] {strides = array<i32>} : memref<64xf32, #tpu.memory_space<vmem>>, vector<16xf32>,
      tpu.vector_store %arg22[%swap3A_70], %gather3A_69 {strides = array<i32>} : memref<64xf32, #tpu.memory_space<vmem>>, vector<16xf32>,
      %gather3A_72 = tpu.vector_load_idx %arg18[%add3A_65, %get3A_6] : memref<64x16xf32, #tpu.memory_space<vmem>>[vector<16xi32>, vector<16xi32>], vector<16xf32>,
      %add3A_73 = arith.constant 1.000000e+00 : f32
      %add3A_74 = vector.broadcast %add3A_73 : f32 to vector<16xf32>
      %add3A_75 = arith.addf %gather3A_72, %add3A_74 : vector<16xf32>
      %swap3A_76 = arith.constant 32 : index
      %swap3A_77 = tpu.vector_load %arg23[%swap3A_76] {strides = array<i32>} : memref<64xf32, #tpu.memory_space<vmem>>, vector<16xf32>,
      tpu.vector_store %arg23[%swap3A_76], %add3A_75 {strides = array<i32>} : memref<64xf32, #tpu.memory_space<vmem>>, vector<16xf32>,
      %add3A_78 = arith.constant 48 : i32
      %add3A_79 = vector.broadcast %add3A_78 : i32 to vector<16xi32>
      %add3A_80 = arith.addi %iota3A, %add3A_79 : vector<16xi32>
      %gather3A_81 = tpu.vector_load_idx %arg16[%add3A_80, %get3A_6] : memref<64x16xf32, #tpu.memory_space<vmem>>[vector<16xi32>, vector<16xi32>], vector<16xf32>,
      %swap3A_82 = arith.constant 48 : index
      %swap3A_83 = tpu.vector_load %arg21[%swap3A_82] {strides = array<i32>} : memref<64xf32, #tpu.memory_space<vmem>>, vector<16xf32>,
      tpu.vector_store %arg21[%swap3A_82], %gather3A_81 {strides = array<i32>} : memref<64xf32, #tpu.memory_space<vmem>>, vector<16xf32>,
      %gather3A_84 = tpu.vector_load_idx %arg17[%add3A_80, %get3A_6] : memref<64x16xf32, #tpu.memory_space<vmem>>[vector<16xi32>, vector<16xi32>], vector<16xf32>,
      %swap3A_85 = arith.constant 48 : index
      %swap3A_86 = tpu.vector_load %arg22[%swap3A_85] {strides = array<i32>} : memref<64xf32, #tpu.memory_space<vmem>>, vector<16xf32>,
      tpu.vector_store %arg22[%swap3A_85], %gather3A_84 {strides = array<i32>} : memref<64xf32, #tpu.memory_space<vmem>>, vector<16xf32>,
      %gather3A_87 = tpu.vector_load_idx %arg18[%add3A_80, %get3A_6] : memref<64x16xf32, #tpu.memory_space<vmem>>[vector<16xi32>, vector<16xi32>], vector<16xf32>,
      %add3A_88 = arith.constant 1.000000e+00 : f32
      %add3A_89 = vector.broadcast %add3A_88 : f32 to vector<16xf32>
      %add3A_90 = arith.addf %gather3A_87, %add3A_89 : vector<16xf32>
      %swap3A_91 = arith.constant 48 : index
      %swap3A_92 = tpu.vector_load %arg23[%swap3A_91] {strides = array<i32>} : memref<64xf32, #tpu.memory_space<vmem>>, vector<16xf32>,
      tpu.vector_store %arg23[%swap3A_91], %add3A_90 {strides = array<i32>} : memref<64xf32, #tpu.memory_space<vmem>>, vector<16xf32>,
      "tpu.region"() ({
        %run_scoped3A = tpu.sem_alloc : memref<!tpu.dma_semaphore, #tpu.memory_space<semaphore_mem>>
        tpu.enqueue_dma source(%arg21 : memref<64xf32, #tpu.memory_space<vmem>>) target(%arg6 : memref<64xf32, #tpu.memory_space<hbm>>) target_semaphore(%run_scoped3A : memref<!tpu.dma_semaphore, #tpu.memory_space<semaphore_mem>>)
        tpu.wait_dma2 semaphore(%run_scoped3A : memref<!tpu.dma_semaphore, #tpu.memory_space<semaphore_mem>>) src(%arg21 : memref<64xf32, #tpu.memory_space<vmem>>) dst(%arg6 : memref<64xf32, #tpu.memory_space<hbm>>)
        tpu.yield
      }) : () -> ()
      "tpu.region"() ({
        %run_scoped3A = tpu.sem_alloc : memref<!tpu.dma_semaphore, #tpu.memory_space<semaphore_mem>>
        tpu.enqueue_dma source(%arg22 : memref<64xf32, #tpu.memory_space<vmem>>) target(%arg7 : memref<64xf32, #tpu.memory_space<hbm>>) target_semaphore(%run_scoped3A : memref<!tpu.dma_semaphore, #tpu.memory_space<semaphore_mem>>)
        tpu.wait_dma2 semaphore(%run_scoped3A : memref<!tpu.dma_semaphore, #tpu.memory_space<semaphore_mem>>) src(%arg22 : memref<64xf32, #tpu.memory_space<vmem>>) dst(%arg7 : memref<64xf32, #tpu.memory_space<hbm>>)
        tpu.yield
      }) : () -> ()
      "tpu.region"() ({
        %run_scoped3A = tpu.sem_alloc : memref<!tpu.dma_semaphore, #tpu.memory_space<semaphore_mem>>
        tpu.enqueue_dma source(%arg23 : memref<64xf32, #tpu.memory_space<vmem>>) target(%arg8 : memref<64xf32, #tpu.memory_space<hbm>>) target_semaphore(%run_scoped3A : memref<!tpu.dma_semaphore, #tpu.memory_space<semaphore_mem>>)
        tpu.wait_dma2 semaphore(%run_scoped3A : memref<!tpu.dma_semaphore, #tpu.memory_space<semaphore_mem>>) src(%arg23 : memref<64xf32, #tpu.memory_space<vmem>>) dst(%arg8 : memref<64xf32, #tpu.memory_space<hbm>>)
        tpu.yield
      }) : () -> ()
    } else {
    }
    return
  }
}

module attributes {stable_mosaic.version = 14 : i64} {
  func.func @_lse_body(%arg0: i32, %arg1: memref<1x32x16x1024xf32, #tpu.memory_space<vmem>>, %arg2: memref<32x16xf32, #tpu.memory_space<vmem>>) attributes {dimension_semantics = [#tpu.dimension_semantics<arbitrary>], iteration_bounds = array<i64: 2>, scalar_prefetch = 0 : i64, scratch_operands = 0 : i64, tpu.core_type = #tpu.core_type<tc>, window_params = [{transform_indices = @transform_0, window_bounds = array<i64: 1, 32, 16, 1024>}, {transform_indices = @transform_1, window_bounds = array<i64: 32, 16>}]} {
    %get3A = arith.constant 0 : index
    %get3A_0 = arith.constant 0 : index
    %get3A_1 = arith.constant 0 : index
    %get3A_2 = arith.constant 0 : index
    %get3A_3 = vector.load %arg1[%get3A, %get3A_0, %get3A_1, %get3A_2] : memref<1x32x16x1024xf32, #tpu.memory_space<vmem>>, vector<1x32x16x1024xf32>
    %get3A_4 = vector.shape_cast %get3A_3 : vector<1x32x16x1024xf32> to vector<32x16x1024xf32>
    %reduce_max3A = arith.constant dense<0xFF800000> : vector<32x16xf32>
    %reduce_max3A_5 = vector.multi_reduction <maximumf>, %get3A_4, %reduce_max3A [2] : vector<32x16x1024xf32> to vector<32x16xf32>
    %broadcast_in_dim3A = vector.shape_cast %reduce_max3A_5 : vector<32x16xf32> to vector<32x16x1xf32>
    %sub3A = vector.broadcast %broadcast_in_dim3A : vector<32x16x1xf32> to vector<32x16x1024xf32>
    %sub3A_6 = arith.subf %get3A_4, %sub3A : vector<32x16x1024xf32>
    %exp3A = math.exp %sub3A_6 : vector<32x16x1024xf32>
    %reduce_sum3A = arith.constant dense<0.000000e+00> : vector<32x16xf32>
    %reduce_sum3A_7 = vector.multi_reduction <add>, %exp3A, %reduce_sum3A [2] : vector<32x16x1024xf32> to vector<32x16xf32>
    %log3A = math.log %reduce_sum3A_7 : vector<32x16xf32>
    %add3A = arith.addf %reduce_max3A_5, %log3A : vector<32x16xf32>
    %swap3A = arith.constant 0 : index
    %swap3A_8 = arith.constant 0 : index
    %swap3A_9 = vector.load %arg2[%swap3A, %swap3A_8] : memref<32x16xf32, #tpu.memory_space<vmem>>, vector<32x16xf32>
    tpu.vector_store %arg2[%swap3A, %swap3A_8], %add3A {strides = array<i32>} : memref<32x16xf32, #tpu.memory_space<vmem>>, vector<32x16xf32>,
    return
  }
  func.func @transform_0(%arg0: i32) -> (i32, i32, i32, i32) {
    %c0_i32 = arith.constant 0 : i32
    %c0_i32_0 = arith.constant 0 : i32
    %c0_i32_1 = arith.constant 0 : i32
    %c0_i32_2 = arith.constant 0 : i32
    return %c0_i32, %arg0, %c0_i32_0, %c0_i32_1 : i32, i32, i32, i32
  }
  func.func @transform_1(%arg0: i32) -> (i32, i32) {
    %c0_i32 = arith.constant 0 : i32
    %c0_i32_0 = arith.constant 0 : i32
    return %arg0, %c0_i32 : i32, i32
  }
}

</mosaic_0001>

<sc_bundles>
// kernel: kernel.4.cloned.1.call-start
scs
__scs_entry_jumppad:
0x0: {  	(pc) =	sbr.rel $0x88, $3  }
0x1: {  	(tag) =	ssettag $0x0;
	lr =	simm.s32 $0x1  }
0x2: {  	[smem:$0x3F9E] =	sst lr;
	_ =	strace $0xD0000000  }
0x3: {  	_ = 	snop  }
0x4: {  	_ = 	snop  }
0x5: {  	_ = 	snop  }
0x6: {  	_ = 	snop  }
0x7: {  	_ = 	snop  }
__scs_overlays_trampoline_lowered:
0x8: {  	[smem:$0x3FAD] =	sst s0  }
0x9: {  	[smem:$0x3FAE] =	sst s1  }
0xa: {  	[smem:$0x3FAF] =	sst s2  }
0xb: {  	[smem:$0x3FB0] =	sst s3  }
0xc: {  	[smem:$0x3FB1] =	sst s4  }
0xd: {  	[smem:$0x3FB2] =	sst s5  }
0xe: {  	[smem:$0x3FB3] =	sst s6  }
0xf: {  	[smem:$0x3FB4] =	sst s7  }
0x10: {  	[smem:$0x3FB5] =	sst s8  }
0x11: {  	[smem:$0x3FB6] =	sst s9;
	s0 =	simm.s32 @!p0 $0x0  }
0x12: {  	s1 =	sld [smem:$0x3F9C];
	s0 =	simm.s32 @p0 $0x1  }
0x13: {  	[smem:$0x3FB7] =	sst s0;
	s0 =	simm.s32 @!p1 $0x0  }
0x14: {  	s2 =	sld [smem:$0x3F9B];
	s0 =	simm.s32 @p1 $0x1  }
0x15: {  	[smem:$0x3FB8] =	sst s0;
	s0 =	simm.s32 @!p2 $0x0  }
0x16: {  	s3 =	sld [smem:$0x3FDB];
	s0 =	simm.s32 @p2 $0x1  }
0x17: {  	s4 =	simm.s32 $0x1BF5;
	[smem:$0x3FBA] =	sst s0  }
0x18: {  	s0 =	sld [smem:$0x3F9D];
	_ =	swait.ge [sflag:s4], $0x0  }
0x19: {  	s7 =	sld [smem:$0x3F9E]  }
0x1a: {  	s8 =	sadd.s32 $0xFFFFE003, lr  }
0x1b: {  	s9 =	sadd.s32 $0xFFFFFEF7, lr;
	s5 =	simm.s32 $0xFFFFFFFF;
	p2 =	slt.u32 s8, $0xFFFFF086  }
0x1c: {  	p1 =	slt.u32 s9, $0xF7A;
	s5 =	simm.s32 @!p2 $0x0  }
0x1d: {  	s5 =	simm.s32 @p1 $0x1;
	p0 =	seq.s32 s7, s2  }
0x1e: {  	s7 =	smul.u32 @!p0 $0xF7A, s2;
	p2 =	seq.s32 @!p0 s5, $0x0  }
0x1f: {  	s9 =	smul.u32 $0xF7A, s1;
	s8 =	simm.s32 @!p0 $0x1BF5;
	p2 =	por !p2, p0  }
0x20: {  	[sflag:s8] =	ssyncset.s32 @!p0 $0xFFFFF086;
	s6 =	sadd.s32 @!p0 s3, s7;
	s7 =	simm.s32 @!p0 $0x108  }
0x21: {  	s3 =	sadd.s32 s3, s9;
	s6 =	sadd.s32 @!p0 $0x88, s6;
	s7 =	simm.s32 @p2 $0x1082  }
0x22: {  	[simem:s7], [sflag:s8] =	dma.local @!p0 [hbm:s6], $0xF7A  }
0x23: {  	s9 =	sor.u32 $0xD0000000, s2;
	s6 =	simm.s32 $0x108;
	_ =	swait.ge @!p0 [sflag:s8], $0x0  }
0x24: {  	s3 =	sadd.s32 $0x88, s3;
	s6 =	simm.s32 @!p1 $0x1082;
	[sflag:s4] =	ssyncset.s32 $0xFFFFF086  }
0x25: {  	[simem:s6], [sflag:s4] =	dma.local [hbm:s3], $0xF7A  }
0x26: {  	[smem:$0x3F9E] =	sst s1;
	(tag) =	ssettag s2;
	_ =	strace s9  }
0x27: {  	s1 =	sld [smem:$0x3FAE]  }
0x28: {  	s2 =	sld [smem:$0x3FAF]  }
0x29: {  	s4 =	sld [smem:$0x3FB1]  }
0x2a: {  	p0 =	seq.s32 s5, $0x0;
	s5 =	sld [smem:$0x3FB2]  }
0x2b: {  	s6 =	sld [smem:$0x3FB3]  }
0x2c: {  	s7 =	sld [smem:$0x3FB4]  }
0x2d: {  	s3 =	simm.s32 $0x108;
	s8 =	sld [smem:$0x3FB5]  }
0x2e: {  	s3 =	simm.s32 @!p0 $0x1082;
	s9 =	sld [smem:$0x3FB6]  }
0x2f: {  	lr =	sadd.s32 s0, s3;
	s0 =	sld [smem:$0x3FAD]  }
0x30: {  	s3 =	sld [smem:$0x3FB0]  }
0x31: {  	[smem:$0x3FB9] =	sst s10  }
0x32: {  	s10 =	sld [smem:$0x3FB7];
	_ =	sdelay $0x3  }
0x33: {  	p0 =	seq.s32 s10, $0x1;
	s10 =	sld [smem:$0x3FB9];
	_ =	sdelay $0x3  }
0x34: {  	[smem:$0x3FB9] =	sst s10  }
0x35: {  	s10 =	sld [smem:$0x3FB8];
	_ =	sdelay $0x3  }
0x36: {  	p1 =	seq.s32 s10, $0x1;
	s10 =	sld [smem:$0x3FB9];
	_ =	sdelay $0x3  }
0x37: {  	[smem:$0x3FB9] =	sst s10  }
0x38: {  	s10 =	sld [smem:$0x3FBA]  }
0x39: {  	_ = 	snop;
	(pc) =	sbr.ind lr, $3  }
0x3a: {  	_ = 	snop  }
0x3b: {  	_ = 	snop  }
0x3c: {  	p2 =	seq.s32 s10, $0x1;
	s10 =	sld [smem:$0x3FB9]  }
0x3d: {  	_ =	shalt  }
0x3e: {  	_ =	shalt  }
0x3f: {  	_ =	shalt  }
0x40: {  	_ =	shalt  }
0x41: {  	_ =	shalt  }
0x42: {  	_ =	shalt  }
0x43: {  	_ =	shalt  }
0x44: {  	_ =	shalt  }
0x45: {  	_ =	shalt  }
0x46: {  	_ =	shalt  }
0x47: {  	_ =	shalt  }
0x48: {  	_ =	shalt  }
0x49: {  	_ =	shalt  }
0x4a: {  	_ =	shalt  }
0x4b: {  	_ =	shalt  }
0x4c: {  	_ =	shalt  }
0x4d: {  	_ =	shalt  }
0x4e: {  	_ =	shalt  }
0x4f: {  	_ =	shalt  }
0x50: {  	_ =	shalt  }
0x51: {  	_ =	shalt  }
0x52: {  	_ =	shalt  }
0x53: {  	_ =	shalt  }
0x54: {  	_ =	shalt  }
0x55: {  	_ =	shalt  }
0x56: {  	_ =	shalt  }
0x57: {  	_ =	shalt  }
0x58: {  	_ =	shalt  }
0x59: {  	_ =	shalt  }
0x5a: {  	_ =	shalt  }
0x5b: {  	_ =	shalt  }
0x5c: {  	_ =	shalt  }
0x5d: {  	_ =	shalt  }
0x5e: {  	_ =	shalt  }
0x5f: {  	_ =	shalt  }
0x60: {  	_ =	shalt  }
0x61: {  	_ =	shalt  }
0x62: {  	_ =	shalt  }
0x63: {  	_ =	shalt  }
0x64: {  	_ =	shalt  }
0x65: {  	_ =	shalt  }
0x66: {  	_ =	shalt  }
0x67: {  	_ =	shalt  }
0x68: {  	_ =	shalt  }
0x69: {  	_ =	shalt  }
0x6a: {  	_ =	shalt  }
0x6b: {  	_ =	shalt  }
0x6c: {  	_ =	shalt  }
0x6d: {  	_ =	shalt  }
0x6e: {  	_ =	shalt  }
0x6f: {  	_ =	shalt  }
0x70: {  	_ =	shalt  }
0x71: {  	_ =	shalt  }
0x72: {  	_ =	shalt  }
0x73: {  	_ =	shalt  }
0x74: {  	_ =	shalt  }
0x75: {  	_ =	shalt  }
0x76: {  	_ =	shalt  }
0x77: {  	_ =	shalt  }
0x78: {  	_ =	shalt  }
0x79: {  	_ =	shalt  }
0x7a: {  	_ =	shalt  }
0x7b: {  	_ =	shalt  }
0x7c: {  	_ =	shalt  }
0x7d: {  	_ =	shalt  }
0x7e: {  	_ =	shalt  }
0x7f: {  	_ =	shalt  }
0x80: {  	_ =	shalt  }
0x81: {  	_ =	shalt  }
0x82: {  	_ =	shalt  }
0x83: {  	_ =	shalt  }
0x84: {  	_ =	shalt  }
0x85: {  	_ =	shalt  }
0x86: {  	_ =	shalt  }
0x87: {  	_ =	shalt  }
.Lfunc_end0:
.L_simem_size_0:
called_computation_lowered:
.L_overlay_start_0:
0x88: {  	s2 =	sld [smem:$0x3FD9]  }
0x89: {  	s3 =	sld [smem:$0x3FFE];
	_ =	sdelay $0x1  }
0x8a: {  	s1 =	srdreg.scid  }
0x8b: {  	s0 =	sand.u32 $0x1, s1  }
0x8c: {  	s14 =	sshll.u32 s0, $0xA;
	s2 =	sadd.s32 s3, s2  }
0x8d: {  	s2 =	sadd.s32 s2, s14  }
0x8e: {  	[smem:$0x3FC5] =	sst s2  }
0x8f: {  	_ = 	snop  }
0x90: {  	s2 =	sld [smem:$0x3FD0];
	_ =	sdelay $0x2  }
0x91: {  	s4 =	simm.s32 $0xA;
	s5 =	simm.s32 $0x10;
	s15 =	sld [smem:$0x3FC8]  }
0x92: {  	[smem:s5], [sflag:s4] =	dma.local [hbm:s2], $0x1  }
0x93: {  	_ =	swait.eq [sflag:s4], $0x1  }
0x94: {  	s16 =	sld [smem:$0x10]  }
0x95: {  	s17 =	sld [smem:$0x11];
	[sflag:s4] =	ssyncset.done $0x0  }
0x96: {  	s6 =	sld [smem:$0x12];
	[sflag:s4] =	ssyncadd.s32 $0xFFFFFFFF  }
0x97: {  	s18 =	sld [smem:$0x13];
	(tm) =	ssettm $0x1  }
0x98: {  	s7 =	sld [smem:$0x3FFB];
	_ =	sdelay $0x3  }
0x99: {  	_ =	strace s7  }
0x9a: {  	s7 =	sld [smem:$0x3FFC];
	_ =	sdelay $0x3  }
0x9b: {  	_ =	strace s7  }
0x9c: {  	s7 =	sld [smem:$0x3FFD];
	_ =	sdelay $0x3  }
0x9d: {  	_ =	strace s7  }
0x9e: {  	_ =	strace $0x8FFFFFFF  }
0x9f: {  	s19 =	sld [smem:$0x3FDB];
	_ =	sdelay $0x1  }
0xa0: {  	s8 =	simm.s32 $_scs_section_size  }
0xa1: {  	s9 =	simm.s32 $_size__tile_overlayer_lowered;
	s10 =	simm.s32 $_tile_overlayer_lowered  }
0xa2: {  	s22 =	simm.s32 $0x1BFF;
	s21 =	sshll.u32 s10, $0x1;
	s7 =	sadd.s32 s8, s19  }
0xa3: {  	s11 =	simm.s32 $0x0;
	s20 =	sshll.u32 s9, $0x1;
	s9 =	sadd.s32 s21, s7  }
0xa4: {  	[timem:s11], [sflag:s22] =	dma.local [hbm:s9], s20  }
0xa5: {  	_ =	swait.ge [sflag:s22], s20  }
0xa6: {  	s8 =	ssub.s32 $0x0, s20;
	[sflag:s22] =	ssyncset.done $0x0  }
0xa7: {  	[sflag:s22] =	ssyncadd.s32 s8;
	_ =	sdelay $0x1  }
0xa8: {  	s23 =	simm.s32 $0x1B8B  }
0xa9: {  	_ =	swait.ge [sflag:s23], $0x1  }
0xaa: {  	[sflag:s23] =	ssyncset.done $0x0  }
0xab: {  	s25 =	simm.s32 $0x1B8E;
	s24 =	sld [smem:$0x3FFE];
	[sflag:s23] =	ssyncadd.s32 $0xFFFFFFFF  }
0xac: {  	s26 =	simm.s32 $execute0_lowered;
	[smem:$0x3FD2] =	sst s25  }
0xad: {  	s9 =	sshll.u32 s26, $0x1;
	_ =	strace $0x80000046;
	[dreg:$0x1] =	wrdreg $0xFFFFFFFF  }
0xae: {  	s28 =	simm.s32 $_size_execute0_lowered;
	s7 =	sadd.s32 s7, s9;
	[dreg:$0x0] =	wrdreg $0x0  }
0xaf: {  	s9 =	sshll.u32 s28, $0x1;
	[dreg:$0x2] =	wrdreg s7  }
0xb0: {  	[dreg:$0x3] =	wrdreg s9  }
0xb1: {  	[dreg:$0x4] =	wrdreg $0xC0  }
0xb2: {  	_ =	task [dreg:s11], $0x5FFFF  }
0xb3: {  	[dreg:$0x1] =	wrdreg $0xFFFFFFFF  }
0xb4: {  	[dreg:$0x0] =	wrdreg $0x60  }
0xb5: {  	[dreg:$0x2] =	wrdreg s24  }
0xb6: {  	[dreg:$0x3] =	wrdreg s15  }
0xb7: {  	[dreg:$0x4] =	wrdreg s16  }
0xb8: {  	[dreg:$0x5] =	wrdreg s17  }
0xb9: {  	[dreg:$0x6] =	wrdreg s6  }
0xba: {  	[dreg:$0x7] =	wrdreg s18  }
0xbb: {  	[dreg:$0x8] =	wrdreg $0x9  }
0xbc: {  	_ =	task.clear_ibuf [dreg:s11], $0x9FFFF;
	_ =	strace $0x90000046  }
0xbd: {  	s29 =	simm.s32 $0x9;
	_ =	strace $0x80000048  }
0xbe: {  	_ =	swait.ge [sflag:s29], $0x1  }
0xbf: {  	[sflag:s29] =	ssyncadd.s32 $0xFFFFFFFF  }
0xc0: {  	_ =	strace $0x90000048  }
0xc1: {  	_ =	sfence  }
0xc2: {  	s30 =	sld [smem:$0x0];
	_ =	sdelay $0x2  }
0xc3: {  	s31 =	sshll.u32 s1, $0xD;
	s1 =	sshrl.u32 s1, $0x2  }
0xc4: {  	s3 =	sand.u32 $0x4000, s31;
	s1 =	sadd.s32 s1, s30  }
0xc5: {  	s0 =	sor.u32 s3, s0;
	s1 =	sshll.u32 s1, $0x11  }
0xc6: {  	s0 =	sor.u32 s1, s0  }
0xc7: {  	s0 =	sadd.s32 $0x8F2B, s0  }
0xc8: {  	[sflag:s0] =	ssyncadd.remote.s32 $0x1  }
0xc9: {  	_ =	sfence.sel $0xFFFF  }
0xca: {  	[dreg:$0x0] =	wrdreg $0xFFFFFFFF;
	(pc) =	sbr.abs _section_cstart, $3  }
0xcb: {  	[dreg:$0x1] =	wrdreg $0xFFFFFFFF  }
0xcc: {  	_ =	task.clear_ibuf [dreg:s11], $0x2FFFF;
	_ =	strace $0x9FFFFFFF  }
0xcd: {  	(tm) =	ssettm $0x7FFFFFFF  }
tec
execute0_lowered:
.L_overlay_start_1:
0x0: {  	(tag) =	ssettag $0x1  }
0x1: {  	s1 =	srdreg.scid  }
0x2: {  	s2 =	stileid.u32;
	s1 =	sand.u32 $0x1, s1  }
0x3: {  	s2 =	sshll.u32 s2, $0x1;
	s3 =	ssub.s32 $0x0, s1  }
0x4: {  	p0 =	sne.s32 s2, s3  }
.Ltmp0:
0x5: {  	_ = 	snop;
	(pc) =	sbr.rel @p0 .LBB2_9-.Ltmp0, $2  }
0x6: {  	_ =	sdelay $0x2  }
0x7: {  	s0 =	rddreg [dreg:$0x0];
	_ =	strace $0x80000047  }
0x8: {  	v0 =	vimm.f32 $1.500000000e+01;
	vm0 =	vcmask $0x300  }
0x9: {  	vm14 =	vcmask $0x704;
	v0 =	vsel vm0, $0x0, v0  }
0xa: {  	vm15 =	vcmask $0xB08;
	v0 =	vsel vm14, $0x3F800000, v0  }
0xb: {  	vm4 =	vcmask $0xF0C;
	v0 =	vsel vm15, $0x40000000, v0  }
0xc: {  	vm5 =	vcmask $0x1310;
	v0 =	vsel vm4, $0x40400000, v0  }
0xd: {  	vm6 =	vcmask $0x1714;
	v0 =	vsel vm5, $0x40800000, v0  }
0xe: {  	vm7 =	vcmask $0x1B18;
	v0 =	vsel vm6, $0x40A00000, v0  }
0xf: {  	vm8 =	vcmask $0x1F1C;
	v0 =	vsel vm7, $0x40C00000, v0  }
0x10: {  	s1 =	ssub.s32 $0x2, s1;
	vm9 =	vcmask $0x2320;
	v0 =	vsel vm8, $0x40E00000, v0  }
0x11: {  	s7 =	sadd.s32 $0xC00, s0;
	s8 =	sadd.s32 $0xA00, s0;
	vm10 =	vcmask $0x2724;
	s10 =	simm.s32 $0x0;
	v0 =	vsel vm9, $0x41000000, v0  }
0x12: {  	s11 =	simm.s32 $0x2;
	vm11 =	vcmask $0x2B28;
	s13 =	simm.s32 $0x1100;
	s14 =	simm.s32 $0x800;
	v0 =	vsel vm10, $0x41100000, v0  }
0x13: {  	vm12 =	vcmask $0x2F2C;
	s15 =	simm.s32 $0x100;
	s16 =	simm.s32 $0x900;
	s17 =	simm.s32 $0x1;
	v0 =	vsel vm11, $0x41200000, v0  }
0x14: {  	vm13 =	vcmask $0x3330;
	s18 =	simm.s32 $0x7D00;
	s19 =	simm.s32 $0x7D80;
	s20 =	simm.s32 $0x1D00;
	v0 =	vsel vm12, $0x41300000, v0  }
0x15: {  	s21 =	simm.s32 $0x3D00;
	s22 =	simm.s32 $0x5D00;
	s2 =	sshrl.u32 s1, $0x1;
	vm14 =	vcmask $0x3734;
	v1 =	vsel vm13, $0x41400000, v0  }
0x16: {  	s23 =	simm.s32 $0x7E00;
	s24 =	simm.s32 $0x7E80;
	s31 =	ssub.s32 s1, s2;
	vm15 =	vcmask $0x3B38;
	v0 =	vlaneseq.u32;
	v3 =	vsel vm14, $0x41500000, v1  }
0x17: {  	s25 =	simm.s32 $0x7F00;
	s26 =	simm.s32 $0x0;
	s9 =	smax.u32 s31, $0x1;
	v1 =	vmul.u32 $0x400, v0;
	v2 =	vor.u32 $0x80000000, v0;
	v3 =	vsel vm15, $0x41600000, v3  }
.LBB2_2:
0x18: {  	s0 =	rddreg [dreg:$0x1]  }
0x19: {  	[tilespmem:s10], [sflag:$0x2] =	stream.linear.gather [hbm4b:s0+s10], $0x80, $0x38;
	[tilespmem:$0x7F80] =	vst v63  }
0x1a: {  	_ =	swait.ge [sflag:s11], $0x80  }
0x1b: {  	[sflag:s11] =	ssyncset.done $0x0  }
0x1c: {  	[sflag:s11] =	ssyncadd.s32 $0xFFFFFF80  }
0x1d: {  	s1 =	simm.s32 $0x80;
	s4 =	rddreg [dreg:$0x2]  }
0x1e: {  	[tilespmem:s1], [sflag:$0x2] =	stream.linear.gather [hbm4b:s4+s10], $0x80, $0x38;
	[tilespmem:$0x7F80] =	vst v63  }
0x1f: {  	_ =	swait.ge [sflag:s11], $0x80  }
0x20: {  	[sflag:s11] =	ssyncset.done $0x0  }
0x21: {  	[sflag:s11] =	ssyncadd.s32 $0xFFFFFF80  }
0x22: {  	[tilespmem:s13], [sflag:$0x2] =	stream.linear.gather [hbm4b:s8+s10], $0x400, $0x38;
	[tilespmem:$0x7F80] =	vst v63  }
0x23: {  	_ =	swait.ge [sflag:s11], $0x400  }
0x24: {  	[sflag:s11] =	ssyncset.done $0x0  }
0x25: {  	[sflag:s11] =	ssyncadd.s32 $0xFFFFFC00  }
0x26: {  	s5 =	simm.s32 $0x60;
	v5 =	vld [tilespmem:$0x0]  }
0x27: {  	s6 =	simm.s32 $0x0;
	v4 =	vmov s5  }
0x28: {  	v7 =	vmov s6;
	v4 =	vshll.u32 v4, $0xA  }
0x29: {  	s0 =	simm.s32 $0x500;
	v7 =	vshll.u32 v7, $0xA;
	v6 =	vor.u32 v1, v4  }
0x2a: {  	s2 =	simm.s32 $0x10;
	v7 =	vor.u32 v1, v7;
	v4 =	vld [tilespmem:$0x80];
	[tilespmem:s0+$0x60] =	vst v6  }
0x2b: {  	s12 =	simm.s32 $0x20;
	v9 =	vmov s2;
	[tilespmem:s0+$0x0] =	vst v7;
	v8 =	vadd.s32 v5, v6  }
0x2c: {  	s28 =	simm.s32 $0x70;
	v9 =	vshll.u32 v9, $0xA;
	v7 =	vadd.s32 v5, v7;
	[tilespmem:s0+$0xFFFFFC60] =	vst v8;
	v8 =	vmov s12  }
0x2d: {  	s29 =	simm.s32 $0x30;
	s30 =	simm.s32 $0x40;
	v10 =	vmov s28;
	[tilespmem:s0+$0xFFFFFC00] =	vst v7;
	v6 =	vshll.u32 v8, $0xA;
	v8 =	vor.u32 v1, v9  }
0x2e: {  	s31 =	simm.s32 $0x50;
	v11 =	vmov s30;
	v9 =	vmov s29;
	v6 =	vor.u32 v1, v6;
	[tilespmem:s0+$0x10] =	vst v8  }
0x2f: {  	v12 =	vmov s31;
	v9 =	vshll.u32 v9, $0xA;
	v8 =	vadd.s32 v5, v8;
	[tilespmem:s0+$0x20] =	vst v6  }
0x30: {  	v7 =	vshll.u32 v11, $0xA;
	v9 =	vor.u32 v1, v9;
	v6 =	vadd.s32 v5, v6;
	[tilespmem:s0+$0xFFFFFC10] =	vst v8  }
0x31: {  	v11 =	vshll.u32 v12, $0xA;
	v8 =	vor.u32 v1, v7;
	v63 =	vadd.s32 v5, v9;
	[tilespmem:s0+$0xFFFFFC20] =	vst v6  }
0x32: {  	v7 =	vor.u32 v1, v11;
	v6 =	vshll.u32 v10, $0xA;
	v10 =	vadd.s32 v5, v8;
	[tilespmem:s0+$0xFFFFFC30] =	vst v63  }
0x33: {  	v11 =	vadd.s32 v5, v7;
	v6 =	vor.u32 v1, v6;
	[tilespmem:s0+$0xFFFFFC40] =	vst v10  }
0x34: {  	s2 =	simm.s32 $0xF0;
	s1 =	simm.s32 $0x0;
	[tilespmem:s0+$0xFFFFFC50] =	vst v11;
	v10 =	vadd.s32 v5, v6  }
.LBB2_3:
0x35: {  	s3 =	sadd.s32 $0xFFFFFFA0, s2;
	s4 =	sadd.s32 $0xFFFFFFF0, s2;
	v11 =	vmov s2;
	s1 =	sadd.s32 $0x8, s1;
	[tilespmem:s0+$0x30] =	vst v9  }
0x36: {  	s5 =	sadd.s32 $0xFFFFFFC0, s2;
	v9 =	vmov s3;
	s3 =	sadd.s32 $0xFFFFFFB0, s2;
	v12 =	vmov s4;
	v11 =	vshll.u32 v11, $0xA;
	p0 =	slt.u32 s1, $0x38;
	[tilespmem:s0+$0x40] =	vst v8  }
0x37: {  	s4 =	sadd.s32 $0xFFFFFF90, s2;
	v13 =	vmov s5;
	s5 =	sadd.s32 $0xFFFFFFE0, s2;
	v8 =	vmov s3;
	s3 =	sadd.s32 $0xFFFFFFD0, s2;
	v12 =	vshll.u32 v12, $0xA;
	[tilespmem:s0+$0x50] =	vst v7  }
0x38: {  	v7 =	vmov s4;
	v14 =	vmov s3;
	v12 =	vor.u32 v1, v12;
	[tilespmem:s0+$0xFFFFFC70] =	vst v10  }
0x39: {  	v7 =	vshll.u32 v7, $0xA;
	v10 =	vmov s5;
	v15 =	vadd.s32 v5, v12;
	[tilespmem:s0+$0x70] =	vst v6;
	s0 =	sadd.s32 $0x80, s0  }
0x3a: {  	v8 =	vshll.u32 v8, $0xA;
	v6 =	vshll.u32 v9, $0xA;
	v9 =	vshll.u32 v13, $0xA;
	[tilespmem:s0+$0xFFFFFC60] =	vst v15  }
0x3b: {  	v13 =	vor.u32 v1, v7;
	v7 =	vshll.u32 v14, $0xA;
	v10 =	vshll.u32 v10, $0xA;
	[tilespmem:s0+$0x60] =	vst v12  }
0x3c: {  	v14 =	vor.u32 v1, v8;
	v9 =	vor.u32 v1, v9;
	v12 =	vor.u32 v1, v6;
	[tilespmem:s0+$0x0] =	vst v13  }
0x3d: {  	v8 =	vor.u32 v1, v7;
	v7 =	vor.u32 v1, v10;
	v6 =	vor.u32 v1, v11;
	[tilespmem:s0+$0x10] =	vst v12  }
0x3e: {  	v10 =	vadd.s32 v5, v13;
	v11 =	vadd.s32 v5, v12;
	v12 =	vadd.s32 v5, v14;
	[tilespmem:s0+$0x20] =	vst v14  }
0x3f: {  	v15 =	vadd.s32 v5, v7;
	v13 =	vadd.s32 v5, v9;
	v14 =	vadd.s32 v5, v8;
	[tilespmem:s0+$0xFFFFFC00] =	vst v10  }
.Ltmp1:
0x40: {  	v10 =	vadd.s32 v5, v6;
	[tilespmem:s0+$0xFFFFFC10] =	vst v11;
	(pc) =	sbr.rel @p0 .LBB2_3-.Ltmp1, $4  }
0x41: {  	[tilespmem:s0+$0xFFFFFC20] =	vst v12  }
0x42: {  	[tilespmem:s0+$0xFFFFFC30] =	vst v13  }
0x43: {  	[tilespmem:s0+$0xFFFFFC40] =	vst v14  }
0x44: {  	s2 =	sadd.s32 $0x80, s2;
	[tilespmem:s0+$0xFFFFFC50] =	vst v15  }
0x45: {  	[tilespmem:s0+$0x30] =	vst v9  }
0x46: {  	[tilespmem:s0+$0x40] =	vst v8  }
0x47: {  	[tilespmem:s0+$0x50] =	vst v7  }
0x48: {  	[tilespmem:s0+$0xFFFFFC70] =	vst v10  }
0x49: {  	[tilespmem:s0+$0x70] =	vst v6  }
0x4a: {  	[tilespmem:s16], [sflag:$0x1] =	stream.indirect.gather [hbm4b:s7+s14], $0x1, s15, s14, $0xb8;
	[tilespmem:$0x7F80] =	vst v63  }
0x4b: {  	_ =	swait.ge [sflag:s17], $0x800  }
0x4c: {  	[sflag:s17] =	ssyncset.done $0x0  }
0x4d: {  	s0 =	simm.s32 $0x1140;
	[sflag:s17] =	ssyncadd.s32 $0xFFFFF800  }
0x4e: {  	s2 =	simm.s32 $0xD00;
	v5 =	vld [tilespmem:s0+$0xFFFFFFC0]  }
0x4f: {  	v6 =	vld [tilespmem:s2+$0xFFFFFC00];
	_ =	sdelay $0x4  }
0x50: {  	v6 =	vsub.f32 v6, v5;
	_ =	sdelay $0x1  }
0x51: {  	(xrf2) =	vadd.scan.msk.f32 $0xffff, v6;
	_ =	sdelay $0x9  }
0x52: {  	v7, _, _ =	vpop (xrf2)  }
0x53: {  	v6 =	vsub.f32 v7, v6  }
0x54: {  	s28 =	simm.s32 $0x1540  }
0x55: {  	[tilespmem:s28+$0xFFFFFFC0] =	vst v6  }
0x56: {  	v6 =	vld [tilespmem:s2+$0x0];
	_ =	sdelay $0x4  }
0x57: {  	v5 =	vsub.f32 v6, v5  }
0x58: {  	s29 =	simm.s32 $0x1940  }
0x59: {  	[tilespmem:s29+$0xFFFFFFC0] =	vst v5  }
0x5a: {  	v5 =	vld [tilespmem:s0+$0xFFFFFFD0]  }
0x5b: {  	v6 =	vld [tilespmem:s2+$0xFFFFFC10];
	_ =	sdelay $0x4  }
0x5c: {  	v6 =	vsub.f32 v6, v5;
	_ =	sdelay $0x1  }
0x5d: {  	(xrf2) =	vadd.scan.msk.f32 $0xffff, v6;
	_ =	sdelay $0x9  }
0x5e: {  	v7, _, _ =	vpop (xrf2)  }
0x5f: {  	v6 =	vsub.f32 v7, v6;
	_ =	sdelay $0x1  }
0x60: {  	[tilespmem:s28+$0xFFFFFFD0] =	vst v6  }
0x61: {  	v6 =	vld [tilespmem:s2+$0x10];
	_ =	sdelay $0x4  }
0x62: {  	v5 =	vsub.f32 v6, v5;
	_ =	sdelay $0x1  }
0x63: {  	[tilespmem:s29+$0xFFFFFFD0] =	vst v5  }
0x64: {  	v5 =	vld [tilespmem:s0+$0xFFFFFFE0]  }
0x65: {  	v6 =	vld [tilespmem:s2+$0xFFFFFC20];
	_ =	sdelay $0x4  }
0x66: {  	v6 =	vsub.f32 v6, v5;
	_ =	sdelay $0x1  }
0x67: {  	(xrf2) =	vadd.scan.msk.f32 $0xffff, v6;
	_ =	sdelay $0x9  }
0x68: {  	v7, _, _ =	vpop (xrf2)  }
0x69: {  	v6 =	vsub.f32 v7, v6;
	_ =	sdelay $0x1  }
0x6a: {  	[tilespmem:s28+$0xFFFFFFE0] =	vst v6  }
0x6b: {  	v6 =	vld [tilespmem:s2+$0x20];
	_ =	sdelay $0x4  }
0x6c: {  	v5 =	vsub.f32 v6, v5;
	_ =	sdelay $0x1  }
0x6d: {  	[tilespmem:s29+$0xFFFFFFE0] =	vst v5  }
0x6e: {  	v5 =	vld [tilespmem:s0+$0xFFFFFFF0]  }
0x6f: {  	v6 =	vld [tilespmem:s2+$0xFFFFFC30];
	_ =	sdelay $0x4  }
0x70: {  	v6 =	vsub.f32 v6, v5;
	_ =	sdelay $0x1  }
0x71: {  	(xrf2) =	vadd.scan.msk.f32 $0xffff, v6;
	_ =	sdelay $0x9  }
0x72: {  	v7, _, _ =	vpop (xrf2)  }
0x73: {  	v6 =	vsub.f32 v7, v6;
	_ =	sdelay $0x1  }
0x74: {  	[tilespmem:s28+$0xFFFFFFF0] =	vst v6  }
0x75: {  	v6 =	vld [tilespmem:s2+$0x30];
	_ =	sdelay $0x4  }
0x76: {  	v5 =	vsub.f32 v6, v5;
	_ =	sdelay $0x1  }
0x77: {  	[tilespmem:s29+$0xFFFFFFF0] =	vst v5  }
0x78: {  	v5 =	vld [tilespmem:s0+$0x0]  }
0x79: {  	v6 =	vld [tilespmem:s2+$0xFFFFFC40];
	_ =	sdelay $0x4  }
0x7a: {  	v6 =	vsub.f32 v6, v5;
	_ =	sdelay $0x1  }
0x7b: {  	(xrf2) =	vadd.scan.msk.f32 $0xffff, v6;
	_ =	sdelay $0x9  }
0x7c: {  	v7, _, _ =	vpop (xrf2)  }
0x7d: {  	v6 =	vsub.f32 v7, v6;
	_ =	sdelay $0x1  }
0x7e: {  	[tilespmem:s28+$0x0] =	vst v6  }
0x7f: {  	v6 =	vld [tilespmem:s2+$0x40];
	_ =	sdelay $0x4  }
0x80: {  	v5 =	vsub.f32 v6, v5;
	_ =	sdelay $0x1  }
0x81: {  	[tilespmem:s29+$0x0] =	vst v5  }
0x82: {  	v5 =	vld [tilespmem:s0+$0x10]  }
0x83: {  	v6 =	vld [tilespmem:s2+$0xFFFFFC50];
	_ =	sdelay $0x4  }
0x84: {  	v6 =	vsub.f32 v6, v5;
	_ =	sdelay $0x1  }
0x85: {  	(xrf2) =	vadd.scan.msk.f32 $0xffff, v6;
	_ =	sdelay $0x9  }
0x86: {  	v7, _, _ =	vpop (xrf2)  }
0x87: {  	v6 =	vsub.f32 v7, v6;
	_ =	sdelay $0x1  }
0x88: {  	[tilespmem:s28+$0x10] =	vst v6  }
0x89: {  	v6 =	vld [tilespmem:s2+$0x50];
	_ =	sdelay $0x4  }
0x8a: {  	v5 =	vsub.f32 v6, v5;
	_ =	sdelay $0x1  }
0x8b: {  	[tilespmem:s29+$0x10] =	vst v5  }
0x8c: {  	v5 =	vld [tilespmem:s0+$0x20]  }
0x8d: {  	v6 =	vld [tilespmem:s2+$0xFFFFFC60];
	_ =	sdelay $0x4  }
0x8e: {  	v6 =	vsub.f32 v6, v5;
	_ =	sdelay $0x1  }
0x8f: {  	(xrf2) =	vadd.scan.msk.f32 $0xffff, v6;
	_ =	sdelay $0x9  }
0x90: {  	v7, _, _ =	vpop (xrf2)  }
0x91: {  	v6 =	vsub.f32 v7, v6;
	_ =	sdelay $0x1  }
0x92: {  	[tilespmem:s28+$0x20] =	vst v6  }
0x93: {  	v6 =	vld [tilespmem:s2+$0x60];
	_ =	sdelay $0x4  }
0x94: {  	v5 =	vsub.f32 v6, v5;
	_ =	sdelay $0x1  }
0x95: {  	[tilespmem:s29+$0x20] =	vst v5  }
0x96: {  	v7 =	vld [tilespmem:s0+$0x30]  }
0x97: {  	v5 =	vld [tilespmem:s2+$0xFFFFFC70];
	_ =	sdelay $0x4  }
0x98: {  	v5 =	vsub.f32 v5, v7;
	_ =	sdelay $0x1  }
0x99: {  	(xrf2) =	vadd.scan.msk.f32 $0xffff, v5;
	_ =	sdelay $0x9  }
0x9a: {  	v6, _, _ =	vpop (xrf2)  }
0x9b: {  	s1 =	simm.s32 $0x0;
	v5 =	vsub.f32 v6, v5  }
0x9c: {  	s30 =	simm.s32 $0x5F00;
	s31 =	simm.s32 $0x3F00;
	s4 =	simm.s32 $0x1F00  }
0x9d: {  	s5 =	simm.s32 $0x15C0;
	s6 =	simm.s32 $0x19C0;
	s3 =	simm.s32 $0x1940;
	[tilespmem:s28+$0x30] =	vst v5  }
.LBB2_5:
0x9e: {  	s1 =	sadd.s32 $0x8, s1;
	v8 =	vld [tilespmem:s2+$0x70];
	s2 =	sadd.s32 $0x80, s2;
	s0 =	sadd.s32 $0x80, s0;
	v6 =	vimm.f32 $-1.000000020e+30;
	v5 =	vimm.f32 $0.0e+00  }
0x9f: {  	p0 =	slt.u32 s1, $0x38;
	_ =	sdelay $0x3  }
0xa0: {  	v7 =	vsub.f32 v8, v7;
	_ =	sdelay $0x1  }
0xa1: {  	[tilespmem:s3+$0x30] =	vst v7;
	s3 =	smov.u32 s6  }
0xa2: {  	v7 =	vld [tilespmem:s0+$0xFFFFFFC0]  }
0xa3: {  	v8 =	vld [tilespmem:s2+$0xFFFFFC00];
	_ =	sdelay $0x4  }
0xa4: {  	v8 =	vsub.f32 v8, v7;
	_ =	sdelay $0x1  }
0xa5: {  	(xrf2) =	vadd.scan.msk.f32 $0xffff, v8;
	_ =	sdelay $0x9  }
0xa6: {  	v9, _, _ =	vpop (xrf2)  }
0xa7: {  	v8 =	vsub.f32 v9, v8;
	_ =	sdelay $0x1  }
0xa8: {  	[tilespmem:s5+$0xFFFFFFC0] =	vst v8  }
0xa9: {  	v8 =	vld [tilespmem:s2+$0x0];
	_ =	sdelay $0x4  }
0xaa: {  	v7 =	vsub.f32 v8, v7;
	_ =	sdelay $0x1  }
0xab: {  	[tilespmem:s6+$0xFFFFFFC0] =	vst v7  }
0xac: {  	v7 =	vld [tilespmem:s0+$0xFFFFFFD0]  }
0xad: {  	v8 =	vld [tilespmem:s2+$0xFFFFFC10];
	_ =	sdelay $0x4  }
0xae: {  	v8 =	vsub.f32 v8, v7;
	_ =	sdelay $0x1  }
0xaf: {  	(xrf2) =	vadd.scan.msk.f32 $0xffff, v8;
	_ =	sdelay $0x9  }
0xb0: {  	v9, _, _ =	vpop (xrf2)  }
0xb1: {  	v8 =	vsub.f32 v9, v8;
	_ =	sdelay $0x1  }
0xb2: {  	[tilespmem:s5+$0xFFFFFFD0] =	vst v8  }
0xb3: {  	v8 =	vld [tilespmem:s2+$0x10];
	_ =	sdelay $0x4  }
0xb4: {  	v7 =	vsub.f32 v8, v7;
	_ =	sdelay $0x1  }
0xb5: {  	[tilespmem:s6+$0xFFFFFFD0] =	vst v7  }
0xb6: {  	v7 =	vld [tilespmem:s0+$0xFFFFFFE0]  }
0xb7: {  	v8 =	vld [tilespmem:s2+$0xFFFFFC20];
	_ =	sdelay $0x4  }
0xb8: {  	v8 =	vsub.f32 v8, v7;
	_ =	sdelay $0x1  }
0xb9: {  	(xrf2) =	vadd.scan.msk.f32 $0xffff, v8;
	_ =	sdelay $0x9  }
0xba: {  	v9, _, _ =	vpop (xrf2)  }
0xbb: {  	v8 =	vsub.f32 v9, v8;
	_ =	sdelay $0x1  }
0xbc: {  	[tilespmem:s5+$0xFFFFFFE0] =	vst v8  }
0xbd: {  	v8 =	vld [tilespmem:s2+$0x20];
	_ =	sdelay $0x4  }
0xbe: {  	v7 =	vsub.f32 v8, v7;
	_ =	sdelay $0x1  }
0xbf: {  	[tilespmem:s6+$0xFFFFFFE0] =	vst v7  }
0xc0: {  	v7 =	vld [tilespmem:s0+$0xFFFFFFF0]  }
0xc1: {  	v8 =	vld [tilespmem:s2+$0xFFFFFC30];
	_ =	sdelay $0x4  }
0xc2: {  	v8 =	vsub.f32 v8, v7;
	_ =	sdelay $0x1  }
0xc3: {  	(xrf2) =	vadd.scan.msk.f32 $0xffff, v8;
	_ =	sdelay $0x9  }
0xc4: {  	v9, _, _ =	vpop (xrf2)  }
0xc5: {  	v8 =	vsub.f32 v9, v8;
	_ =	sdelay $0x1  }
0xc6: {  	[tilespmem:s5+$0xFFFFFFF0] =	vst v8  }
0xc7: {  	v8 =	vld [tilespmem:s2+$0x30];
	_ =	sdelay $0x4  }
0xc8: {  	v7 =	vsub.f32 v8, v7;
	_ =	sdelay $0x1  }
0xc9: {  	[tilespmem:s6+$0xFFFFFFF0] =	vst v7  }
0xca: {  	v7 =	vld [tilespmem:s0+$0x0]  }
0xcb: {  	v8 =	vld [tilespmem:s2+$0xFFFFFC40];
	_ =	sdelay $0x4  }
0xcc: {  	v8 =	vsub.f32 v8, v7;
	_ =	sdelay $0x1  }
0xcd: {  	(xrf2) =	vadd.scan.msk.f32 $0xffff, v8;
	_ =	sdelay $0x9  }
0xce: {  	v9, _, _ =	vpop (xrf2)  }
0xcf: {  	v8 =	vsub.f32 v9, v8;
	_ =	sdelay $0x1  }
0xd0: {  	[tilespmem:s5+$0x0] =	vst v8  }
0xd1: {  	v8 =	vld [tilespmem:s2+$0x40];
	_ =	sdelay $0x4  }
0xd2: {  	v7 =	vsub.f32 v8, v7;
	_ =	sdelay $0x1  }
0xd3: {  	[tilespmem:s6+$0x0] =	vst v7  }
0xd4: {  	v7 =	vld [tilespmem:s0+$0x10]  }
0xd5: {  	v8 =	vld [tilespmem:s2+$0xFFFFFC50];
	_ =	sdelay $0x4  }
0xd6: {  	v8 =	vsub.f32 v8, v7;
	_ =	sdelay $0x1  }
0xd7: {  	(xrf2) =	vadd.scan.msk.f32 $0xffff, v8;
	_ =	sdelay $0x9  }
0xd8: {  	v9, _, _ =	vpop (xrf2)  }
0xd9: {  	v8 =	vsub.f32 v9, v8;
	_ =	sdelay $0x1  }
0xda: {  	[tilespmem:s5+$0x10] =	vst v8  }
0xdb: {  	v8 =	vld [tilespmem:s2+$0x50];
	_ =	sdelay $0x4  }
0xdc: {  	v7 =	vsub.f32 v8, v7;
	_ =	sdelay $0x1  }
0xdd: {  	[tilespmem:s6+$0x10] =	vst v7  }
0xde: {  	v7 =	vld [tilespmem:s0+$0x20]  }
0xdf: {  	v8 =	vld [tilespmem:s2+$0xFFFFFC60];
	_ =	sdelay $0x4  }
0xe0: {  	v8 =	vsub.f32 v8, v7;
	_ =	sdelay $0x1  }
0xe1: {  	(xrf2) =	vadd.scan.msk.f32 $0xffff, v8;
	_ =	sdelay $0x9  }
0xe2: {  	v9, _, _ =	vpop (xrf2)  }
0xe3: {  	v8 =	vsub.f32 v9, v8;
	_ =	sdelay $0x1  }
0xe4: {  	[tilespmem:s5+$0x20] =	vst v8  }
0xe5: {  	v8 =	vld [tilespmem:s2+$0x60];
	_ =	sdelay $0x4  }
0xe6: {  	v7 =	vsub.f32 v8, v7;
	_ =	sdelay $0x1  }
0xe7: {  	[tilespmem:s6+$0x20] =	vst v7  }
0xe8: {  	v7 =	vld [tilespmem:s0+$0x30]  }
0xe9: {  	v8 =	vld [tilespmem:s2+$0xFFFFFC70];
	_ =	sdelay $0x4  }
0xea: {  	v8 =	vsub.f32 v8, v7;
	_ =	sdelay $0x1  }
0xeb: {  	(xrf2) =	vadd.scan.msk.f32 $0xffff, v8;
	_ =	sdelay $0x8  }
.Ltmp2:
0xec: {  	(pc) =	sbr.rel @p0 .LBB2_5-.Ltmp2, $3  }
0xed: {  	v9, _, _ =	vpop (xrf2)  }
0xee: {  	v8 =	vsub.f32 v9, v8;
	_ =	sdelay $0x1  }
0xef: {  	s12 =	simm.s32 $0x0;
	s6 =	sadd.s32 $0x80, s6;
	[tilespmem:s5+$0x30] =	vst v8;
	s5 =	sadd.s32 $0x80, s5  }
0xf0: {  	v8 =	vld [tilespmem:s2+$0x70];
	_ =	sdelay $0x4  }
0xf1: {  	v7 =	vsub.f32 v8, v7;
	_ =	sdelay $0x1  }
0xf2: {  	v8 =	vimm.f32 $0.0e+00;
	[tilespmem:s3+$0x30] =	vst v7;
	v7 =	vimm.f32 $0.0e+00  }
.LBB2_7:
0xf3: {  	v9 =	vld [tilespmem:s28+$0xFFFFFFC0];
	_ =	sdelay $0x1  }
0xf4: {  	v5 =	vadd.f32 v5, v6  }
0xf5: {  	vm0 =	veq.s32 v0, $0x0  }
0xf6: {  	v5 =	vsel vm0, $0x0, v5  }
0xf7: {  	v5 =	vsub.f32 v5, v9;
	_ =	sdelay $0x1  }
0xf8: {  	(xrf0) =	vmax.scan.msk.f32 $0xffff, v5;
	_ =	sdelay $0x5  }
0xf9: {  	v6, _, _ =	vpop (xrf0)  }
0xfa: {  	vm1 =	vge.f32 v5, v6  }
0xfb: {  	v5 =	vnsel vm1, $0x7FFFFFFF, v2  }
0xfc: {  	(xrf0) =	vmax.scan.msk.u32 $0xffff, v5;
	_ =	sdelay $0x5  }
0xfd: {  	v5, _, _ =	vpop (xrf0)  }
0xfe: {  	v10 =	vxor.u32 $0x80000000, v5;
	_ =	sdelay $0x2  }
0xff: {  	v11 =	vld [tilespmem:s29+$0xFFFFFFC0];
	[tilespmem:$0x7D00] =	vst v8  }
0x100: {  	[tilespmem:$0x7D80] =	vst v7  }
0x101: {  	v7 =	vld.idx.msk [tilespmem:v10+s19+$0x0], $0xffff;
	_ =	sdelay $0x2  }
0x102: {  	v8 =	vld.idx.msk [tilespmem:v10+s18+$0x0], $0xffff  }
0x103: {  	v6 =	vadd.f32 v6, v9;
	v9 =	vcvt.s32.f32 v10  }
0x104: {  	v7 =	vadd.f32 $1.000000000e+00, v7  }
0x105: {  	s0 =	scvt.s32.f32 s12;
	v6 =	vadd.f32 v6, v11;
	vm13 =	veq.s32 v5, $0x80000000;
	v5 =	vsub.f32 v3, v9  }
0x106: {  	v7 =	vsel vm13, $0x3F800000, v7  }
0x107: {  	[tilespmem:s4+$0xFFFFFE00] =	vst v6;
	v8 =	vsel vm13, s0, v8;
	v5 =	vadd.f32 v5, v7  }
0x108: {  	[tilespmem:s31+$0xFFFFFE00] =	vst v8  }
0x109: {  	[tilespmem:s30+$0xFFFFFE00] =	vst v5  }
0x10a: {  	v7 =	vld [tilespmem:s28+$0xFFFFFFD0];
	_ =	sdelay $0x3  }
0x10b: {  	v6 =	vsel vm0, $0x0, v6  }
0x10c: {  	v6 =	vsub.f32 v6, v7;
	_ =	sdelay $0x1  }
0x10d: {  	(xrf0) =	vmax.scan.msk.f32 $0xffff, v6;
	_ =	sdelay $0x5  }
0x10e: {  	v9, _, _ =	vpop (xrf0)  }
0x10f: {  	vm14 =	vge.f32 v6, v9  }
0x110: {  	v6 =	vnsel vm14, $0x7FFFFFFF, v2  }
0x111: {  	(xrf0) =	vmax.scan.msk.u32 $0xffff, v6;
	_ =	sdelay $0x5  }
0x112: {  	v6, _, _ =	vpop (xrf0)  }
0x113: {  	v10 =	vxor.u32 $0x80000000, v6;
	_ =	sdelay $0x2  }
0x114: {  	v11 =	vld [tilespmem:s29+$0xFFFFFFD0];
	[tilespmem:$0x7D00] =	vst v8  }
0x115: {  	[tilespmem:$0x7D80] =	vst v5  }
0x116: {  	v5 =	vld.idx.msk [tilespmem:v10+s19+$0x0], $0xffff;
	_ =	sdelay $0x2  }
0x117: {  	v8 =	vld.idx.msk [tilespmem:v10+s18+$0x0], $0xffff  }
0x118: {  	v7 =	vadd.f32 v9, v7;
	v9 =	vcvt.s32.f32 v10  }
0x119: {  	s5 =	sadd.s32 $0x1, s12;
	v5 =	vadd.f32 $1.000000000e+00, v5  }
0x11a: {  	s0 =	scvt.s32.f32 s5;
	v7 =	vadd.f32 v7, v11;
	vm15 =	veq.s32 v6, $0x80000000;
	v6 =	vsub.f32 v3, v9  }
0x11b: {  	v5 =	vsel vm15, $0x3F800000, v5  }
0x11c: {  	[tilespmem:s4+$0xFFFFFE80] =	vst v7;
	v8 =	vsel vm15, s0, v8;
	v5 =	vadd.f32 v6, v5  }
0x11d: {  	[tilespmem:s31+$0xFFFFFE80] =	vst v8  }
0x11e: {  	[tilespmem:s30+$0xFFFFFE80] =	vst v5  }
0x11f: {  	v6 =	vld [tilespmem:s28+$0xFFFFFFE0];
	_ =	sdelay $0x3  }
0x120: {  	v7 =	vsel vm0, $0x0, v7  }
0x121: {  	v7 =	vsub.f32 v7, v6;
	_ =	sdelay $0x1  }
0x122: {  	(xrf0) =	vmax.scan.msk.f32 $0xffff, v7;
	_ =	sdelay $0x5  }
0x123: {  	v9, _, _ =	vpop (xrf0)  }
0x124: {  	vm4 =	vge.f32 v7, v9  }
0x125: {  	v7 =	vnsel vm4, $0x7FFFFFFF, v2  }
0x126: {  	(xrf0) =	vmax.scan.msk.u32 $0xffff, v7;
	_ =	sdelay $0x5  }
0x127: {  	v7, _, _ =	vpop (xrf0)  }
0x128: {  	v10 =	vxor.u32 $0x80000000, v7;
	_ =	sdelay $0x2  }
0x129: {  	v11 =	vld [tilespmem:s29+$0xFFFFFFE0];
	[tilespmem:$0x7D00] =	vst v8  }
0x12a: {  	[tilespmem:$0x7D80] =	vst v5  }
0x12b: {  	v5 =	vld.idx.msk [tilespmem:v10+s19+$0x0], $0xffff;
	_ =	sdelay $0x2  }
0x12c: {  	v8 =	vld.idx.msk [tilespmem:v10+s18+$0x0], $0xffff  }
0x12d: {  	v6 =	vadd.f32 v9, v6;
	v9 =	vcvt.s32.f32 v10  }
0x12e: {  	s6 =	sadd.s32 $0x2, s12;
	v5 =	vadd.f32 $1.000000000e+00, v5  }
0x12f: {  	s0 =	scvt.s32.f32 s6;
	v6 =	vadd.f32 v6, v11;
	vm5 =	veq.s32 v7, $0x80000000;
	v7 =	vsub.f32 v3, v9  }
0x130: {  	v5 =	vsel vm5, $0x3F800000, v5  }
0x131: {  	[tilespmem:s4+$0xFFFFFF00] =	vst v6;
	v8 =	vsel vm5, s0, v8;
	v5 =	vadd.f32 v7, v5  }
0x132: {  	[tilespmem:s31+$0xFFFFFF00] =	vst v8  }
0x133: {  	[tilespmem:s30+$0xFFFFFF00] =	vst v5  }
0x134: {  	v7 =	vld [tilespmem:s28+$0xFFFFFFF0];
	_ =	sdelay $0x3  }
0x135: {  	v6 =	vsel vm0, $0x0, v6  }
0x136: {  	v6 =	vsub.f32 v6, v7;
	_ =	sdelay $0x1  }
0x137: {  	(xrf0) =	vmax.scan.msk.f32 $0xffff, v6;
	_ =	sdelay $0x5  }
0x138: {  	v9, _, _ =	vpop (xrf0)  }
0x139: {  	vm6 =	vge.f32 v6, v9  }
0x13a: {  	v6 =	vnsel vm6, $0x7FFFFFFF, v2  }
0x13b: {  	(xrf0) =	vmax.scan.msk.u32 $0xffff, v6;
	_ =	sdelay $0x5  }
0x13c: {  	v6, _, _ =	vpop (xrf0)  }
0x13d: {  	v10 =	vxor.u32 $0x80000000, v6;
	_ =	sdelay $0x2  }
0x13e: {  	v11 =	vld [tilespmem:s29+$0xFFFFFFF0];
	[tilespmem:$0x7D00] =	vst v8  }
0x13f: {  	[tilespmem:$0x7D80] =	vst v5  }
0x140: {  	v5 =	vld.idx.msk [tilespmem:v10+s19+$0x0], $0xffff;
	_ =	sdelay $0x2  }
0x141: {  	v8 =	vld.idx.msk [tilespmem:v10+s18+$0x0], $0xffff  }
0x142: {  	v7 =	vadd.f32 v9, v7;
	v9 =	vcvt.s32.f32 v10  }
0x143: {  	s1 =	sadd.s32 $0x3, s12;
	v5 =	vadd.f32 $1.000000000e+00, v5  }
0x144: {  	s0 =	scvt.s32.f32 s1;
	v7 =	vadd.f32 v7, v11;
	vm7 =	veq.s32 v6, $0x80000000;
	v6 =	vsub.f32 v3, v9  }
0x145: {  	v5 =	vsel vm7, $0x3F800000, v5  }
0x146: {  	[tilespmem:s4+$0xFFFFFF80] =	vst v7;
	v8 =	vsel vm7, s0, v8;
	v5 =	vadd.f32 v6, v5  }
0x147: {  	[tilespmem:s31+$0xFFFFFF80] =	vst v8  }
0x148: {  	[tilespmem:s30+$0xFFFFFF80] =	vst v5  }
0x149: {  	v6 =	vld [tilespmem:s28+$0x0];
	_ =	sdelay $0x3  }
0x14a: {  	v7 =	vsel vm0, $0x0, v7  }
0x14b: {  	v7 =	vsub.f32 v7, v6;
	_ =	sdelay $0x1  }
0x14c: {  	(xrf0) =	vmax.scan.msk.f32 $0xffff, v7;
	_ =	sdelay $0x5  }
0x14d: {  	v9, _, _ =	vpop (xrf0)  }
0x14e: {  	vm8 =	vge.f32 v7, v9  }
0x14f: {  	v7 =	vnsel vm8, $0x7FFFFFFF, v2  }
0x150: {  	(xrf0) =	vmax.scan.msk.u32 $0xffff, v7;
	_ =	sdelay $0x5  }
0x151: {  	v7, _, _ =	vpop (xrf0)  }
0x152: {  	v10 =	vxor.u32 $0x80000000, v7;
	_ =	sdelay $0x2  }
0x153: {  	v11 =	vld [tilespmem:s29+$0x0];
	[tilespmem:$0x7D00] =	vst v8  }
0x154: {  	[tilespmem:$0x7D80] =	vst v5  }
0x155: {  	v5 =	vld.idx.msk [tilespmem:v10+s19+$0x0], $0xffff;
	_ =	sdelay $0x2  }
0x156: {  	v8 =	vld.idx.msk [tilespmem:v10+s18+$0x0], $0xffff  }
0x157: {  	v6 =	vadd.f32 v9, v6;
	v9 =	vcvt.s32.f32 v10  }
0x158: {  	s2 =	sadd.s32 $0x4, s12;
	v5 =	vadd.f32 $1.000000000e+00, v5  }
0x159: {  	s0 =	scvt.s32.f32 s2;
	v6 =	vadd.f32 v6, v11;
	vm9 =	veq.s32 v7, $0x80000000;
	v7 =	vsub.f32 v3, v9  }
0x15a: {  	v5 =	vsel vm9, $0x3F800000, v5  }
0x15b: {  	[tilespmem:s4+$0x0] =	vst v6;
	v8 =	vsel vm9, s0, v8;
	v5 =	vadd.f32 v7, v5  }
0x15c: {  	[tilespmem:s31+$0x0] =	vst v8  }
0x15d: {  	[tilespmem:s30+$0x0] =	vst v5  }
0x15e: {  	v7 =	vld [tilespmem:s28+$0x10];
	_ =	sdelay $0x3  }
0x15f: {  	v6 =	vsel vm0, $0x0, v6  }
0x160: {  	v6 =	vsub.f32 v6, v7;
	_ =	sdelay $0x1  }
0x161: {  	(xrf0) =	vmax.scan.msk.f32 $0xffff, v6;
	_ =	sdelay $0x5  }
0x162: {  	v9, _, _ =	vpop (xrf0)  }
0x163: {  	vm10 =	vge.f32 v6, v9  }
0x164: {  	v6 =	vnsel vm10, $0x7FFFFFFF, v2  }
0x165: {  	(xrf0) =	vmax.scan.msk.u32 $0xffff, v6;
	_ =	sdelay $0x5  }
0x166: {  	v6, _, _ =	vpop (xrf0)  }
0x167: {  	v10 =	vxor.u32 $0x80000000, v6;
	_ =	sdelay $0x2  }
0x168: {  	v11 =	vld [tilespmem:s29+$0x10];
	[tilespmem:$0x7D00] =	vst v8  }
0x169: {  	[tilespmem:$0x7D80] =	vst v5  }
0x16a: {  	v5 =	vld.idx.msk [tilespmem:v10+s19+$0x0], $0xffff;
	_ =	sdelay $0x2  }
0x16b: {  	v8 =	vld.idx.msk [tilespmem:v10+s18+$0x0], $0xffff  }
0x16c: {  	v7 =	vadd.f32 v9, v7;
	v9 =	vcvt.s32.f32 v10  }
0x16d: {  	s3 =	sadd.s32 $0x5, s12;
	v5 =	vadd.f32 $1.000000000e+00, v5  }
0x16e: {  	s0 =	scvt.s32.f32 s3;
	v7 =	vadd.f32 v7, v11;
	vm11 =	veq.s32 v6, $0x80000000;
	v6 =	vsub.f32 v3, v9  }
0x16f: {  	v5 =	vsel vm11, $0x3F800000, v5  }
0x170: {  	[tilespmem:s4+$0x80] =	vst v7;
	v8 =	vsel vm11, s0, v8;
	v5 =	vadd.f32 v6, v5  }
0x171: {  	[tilespmem:s31+$0x80] =	vst v8  }
0x172: {  	[tilespmem:s30+$0x80] =	vst v5  }
0x173: {  	v6 =	vld [tilespmem:s28+$0x20];
	_ =	sdelay $0x3  }
0x174: {  	v7 =	vsel vm0, $0x0, v7  }
0x175: {  	v7 =	vsub.f32 v7, v6;
	_ =	sdelay $0x1  }
0x176: {  	(xrf0) =	vmax.scan.msk.f32 $0xffff, v7;
	_ =	sdelay $0x5  }
0x177: {  	v9, _, _ =	vpop (xrf0)  }
0x178: {  	vm12 =	vge.f32 v7, v9  }
0x179: {  	v7 =	vnsel vm12, $0x7FFFFFFF, v2  }
0x17a: {  	(xrf0) =	vmax.scan.msk.u32 $0xffff, v7;
	_ =	sdelay $0x5  }
0x17b: {  	v7, _, _ =	vpop (xrf0)  }
0x17c: {  	v10 =	vxor.u32 $0x80000000, v7;
	_ =	sdelay $0x2  }
0x17d: {  	v11 =	vld [tilespmem:s29+$0x20];
	[tilespmem:$0x7D00] =	vst v8  }
0x17e: {  	[tilespmem:$0x7D80] =	vst v5  }
0x17f: {  	v5 =	vld.idx.msk [tilespmem:v10+s19+$0x0], $0xffff;
	_ =	sdelay $0x2  }
0x180: {  	v8 =	vld.idx.msk [tilespmem:v10+s18+$0x0], $0xffff  }
0x181: {  	v6 =	vadd.f32 v9, v6;
	v9 =	vcvt.s32.f32 v10  }
0x182: {  	s5 =	sadd.s32 $0x6, s12;
	v5 =	vadd.f32 $1.000000000e+00, v5  }
0x183: {  	s0 =	scvt.s32.f32 s5;
	v6 =	vadd.f32 v6, v11;
	vm13 =	veq.s32 v7, $0x80000000;
	v7 =	vsub.f32 v3, v9  }
0x184: {  	v5 =	vsel vm13, $0x3F800000, v5  }
0x185: {  	[tilespmem:s4+$0x100] =	vst v6;
	v8 =	vsel vm13, s0, v8;
	v7 =	vadd.f32 v7, v5  }
0x186: {  	[tilespmem:s31+$0x100] =	vst v8  }
0x187: {  	[tilespmem:s30+$0x100] =	vst v7  }
0x188: {  	v9 =	vld [tilespmem:s28+$0x30];
	_ =	sdelay $0x3  }
0x189: {  	v5 =	vsel vm0, $0x0, v6  }
0x18a: {  	v5 =	vsub.f32 v5, v9;
	_ =	sdelay $0x1  }
0x18b: {  	(xrf0) =	vmax.scan.msk.f32 $0xffff, v5;
	_ =	sdelay $0x5  }
0x18c: {  	v6, _, _ =	vpop (xrf0)  }
0x18d: {  	vm14 =	vge.f32 v5, v6  }
0x18e: {  	v5 =	vnsel vm14, $0x7FFFFFFF, v2  }
0x18f: {  	(xrf0) =	vmax.scan.msk.u32 $0xffff, v5;
	_ =	sdelay $0x5  }
0x190: {  	v10, _, _ =	vpop (xrf0)  }
0x191: {  	v11 =	vxor.u32 $0x80000000, v10;
	_ =	sdelay $0x2  }
0x192: {  	v5 =	vld [tilespmem:s29+$0x30];
	[tilespmem:$0x7D00] =	vst v8  }
0x193: {  	[tilespmem:$0x7D80] =	vst v7  }
0x194: {  	v7 =	vld.idx.msk [tilespmem:v11+s19+$0x0], $0xffff;
	_ =	sdelay $0x2  }
0x195: {  	v8 =	vld.idx.msk [tilespmem:v11+s18+$0x0], $0xffff  }
0x196: {  	v6 =	vadd.f32 v6, v9;
	v9 =	vcvt.s32.f32 v11  }
0x197: {  	p0 =	slt.u32 s12, $0x38;
	s6 =	sadd.s32 $0x7, s12;
	v7 =	vadd.f32 $1.000000000e+00, v7  }
.Ltmp3:
0x198: {  	s0 =	scvt.s32.f32 s6;
	vm15 =	veq.s32 v10, $0x80000000;
	v10 =	vadd.f32 v6, v5;
	v9 =	vsub.f32 v3, v9;
	(pc) =	sbr.rel @p0 .LBB2_7-.Ltmp3, $4  }
0x199: {  	v7 =	vsel vm15, $0x3F800000, v7  }
0x19a: {  	[tilespmem:s4+$0x180] =	vst v10;
	v8 =	vsel vm15, s0, v8;
	v7 =	vadd.f32 v9, v7  }
0x19b: {  	s12 =	sadd.s32 $0x8, s12;
	s28 =	sadd.s32 $0x80, s28;
	s29 =	sadd.s32 $0x80, s29;
	[tilespmem:s31+$0x180] =	vst v8  }
0x19c: {  	s4 =	sadd.s32 $0x400, s4;
	s31 =	sadd.s32 $0x400, s31;
	[tilespmem:s30+$0x180] =	vst v7;
	s30 =	sadd.s32 $0x400, s30  }
0x19d: {  	v5 =	vmul.u32 $0x80, v0;
	_ =	sdelay $0x1  }
0x19e: {  	v6 =	vadd.s32 v5, v4;
	_ =	sdelay $0x4  }
0x19f: {  	v7 =	vld.idx.msk [tilespmem:v6+s20+$0x0], $0xffff;
	_ =	sdelay $0x4  }
0x1a0: {  	[tilespmem:$0x7E00] =	vst v7  }
0x1a1: {  	v7 =	vld.idx.msk [tilespmem:v6+s21+$0x0], $0xffff;
	_ =	sdelay $0x4  }
0x1a2: {  	[tilespmem:$0x7E80] =	vst v7  }
0x1a3: {  	v6 =	vld.idx.msk [tilespmem:v6+s22+$0x0], $0xffff;
	_ =	sdelay $0x1  }
0x1a4: {  	v62 =	vor.u32 $0x800, v5  }
0x1a5: {  	v7 =	vadd.s32 v62, v4;
	_ =	sdelay $0x1  }
0x1a6: {  	v6 =	vadd.f32 $1.000000000e+00, v6;
	_ =	sdelay $0x1  }
0x1a7: {  	[tilespmem:$0x7F00] =	vst v6  }
0x1a8: {  	v6 =	vld.idx.msk [tilespmem:v7+s20+$0x0], $0xffff;
	_ =	sdelay $0x4  }
0x1a9: {  	[tilespmem:$0x7E10] =	vst v6  }
0x1aa: {  	v6 =	vld.idx.msk [tilespmem:v7+s21+$0x0], $0xffff;
	_ =	sdelay $0x4  }
0x1ab: {  	[tilespmem:$0x7E90] =	vst v6  }
0x1ac: {  	v6 =	vld.idx.msk [tilespmem:v7+s22+$0x0], $0xffff;
	_ =	sdelay $0x1  }
0x1ad: {  	v63 =	vor.u32 $0x1000, v5  }
0x1ae: {  	v7 =	vadd.s32 v63, v4;
	_ =	sdelay $0x1  }
0x1af: {  	v6 =	vadd.f32 $1.000000000e+00, v6;
	_ =	sdelay $0x1  }
0x1b0: {  	[tilespmem:$0x7F10] =	vst v6  }
0x1b1: {  	v6 =	vld.idx.msk [tilespmem:v7+s20+$0x0], $0xffff;
	_ =	sdelay $0x4  }
0x1b2: {  	[tilespmem:$0x7E20] =	vst v6  }
0x1b3: {  	v6 =	vld.idx.msk [tilespmem:v7+s21+$0x0], $0xffff;
	_ =	sdelay $0x4  }
0x1b4: {  	[tilespmem:$0x7EA0] =	vst v6  }
0x1b5: {  	v6 =	vld.idx.msk [tilespmem:v7+s22+$0x0], $0xffff;
	_ =	sdelay $0x1  }
0x1b6: {  	v5 =	vor.u32 $0x1800, v5  }
0x1b7: {  	v4 =	vadd.s32 v5, v4;
	_ =	sdelay $0x1  }
0x1b8: {  	v5 =	vadd.f32 $1.000000000e+00, v6;
	_ =	sdelay $0x1  }
0x1b9: {  	[tilespmem:$0x7F20] =	vst v5  }
0x1ba: {  	v5 =	vld.idx.msk [tilespmem:v4+s20+$0x0], $0xffff;
	_ =	sdelay $0x4  }
0x1bb: {  	[tilespmem:$0x7E30] =	vst v5  }
0x1bc: {  	v5 =	vld.idx.msk [tilespmem:v4+s21+$0x0], $0xffff;
	_ =	sdelay $0x4  }
0x1bd: {  	[tilespmem:$0x7EB0] =	vst v5  }
0x1be: {  	v4 =	vld.idx.msk [tilespmem:v4+s22+$0x0], $0xffff;
	_ =	sdelay $0x4  }
0x1bf: {  	v4 =	vadd.f32 $1.000000000e+00, v4;
	_ =	sdelay $0x1  }
0x1c0: {  	s0 =	rddreg [dreg:$0x3];
	[tilespmem:$0x7F30] =	vst v4  }
0x1c1: {  	[hbm4b:s0+s10] =	stream.linear.scatter [tilespmem:s23], [sflag:$0x2], $0x80, $0x38;
	[tilespmem:$0x7F80] =	vst v63  }
0x1c2: {  	_ =	swait.ge [sflag:s11], $0x80  }
0x1c3: {  	[sflag:s11] =	ssyncset.done $0x0  }
0x1c4: {  	[sflag:s11] =	ssyncadd.s32 $0xFFFFFF80  }
0x1c5: {  	s30 =	rddreg [dreg:$0x4]  }
0x1c6: {  	[hbm4b:s30+s10] =	stream.linear.scatter [tilespmem:s24], [sflag:$0x2], $0x80, $0x38;
	[tilespmem:$0x7F80] =	vst v63  }
0x1c7: {  	_ =	swait.ge [sflag:s11], $0x80  }
0x1c8: {  	s26 =	sadd.s32 $0x1, s26;
	[sflag:s11] =	ssyncset.done $0x0  }
0x1c9: {  	p0 =	sne.s32 s26, s9;
	[sflag:s11] =	ssyncadd.s32 $0xFFFFFF80  }
.Ltmp4:
0x1ca: {  	s31 =	rddreg [dreg:$0x5];
	(pc) =	sbr.rel @p0 .LBB2_2-.Ltmp4, $4  }
0x1cb: {  	[hbm4b:s31+s10] =	stream.linear.scatter [tilespmem:s25], [sflag:$0x2], $0x80, $0x38;
	[tilespmem:$0x7F80] =	vst v63  }
0x1cc: {  	_ =	swait.ge [sflag:s11], $0x80  }
0x1cd: {  	[sflag:s11] =	ssyncset.done $0x0  }
0x1ce: {  	[sflag:s11] =	ssyncadd.s32 $0xFFFFFF80  }
.LBB2_9:
0x1cf: {  	_ =	sfence.sel $0x180000  }
0x1d0: {  	[bflag:$0x0] =	sbarrier.arrive $0xFFFF  }
0x1d1: {  	_ =	strace $0x90000047  }
0x1d2: {  	s0 =	stileid.u32;
	[bflag:$0x2] =	sbarrier.arrive $0xFFFF  }
0x1d3: {  	p0 =	sne.s32 s0, $0x0;
	s0 =	rddreg [dreg:$0x6]  }
0x1d4: {  	s0 =	sadd.s32 @!p0 $0x100000, s0  }
0x1d5: {  	[sflag:s0] =	ssyncadd.tile.s32 @!p0 $0x1;
	_ =	shalt  }
.Lfunc_end2:
_tile_overlayer_lowered:
.L_overlay_start_2:
0x1d6: {  	(tag) =	ssettag $0x2  }
0x1d7: {  	s0 =	rddreg [dreg:$0x0];
	s2 =	stileid.u32  }
0x1d8: {  	s1 =	rddreg [dreg:$0x1];
	p0 =	sne.s32 s2, $0x0  }
0x1d9: {  	s3 =	rddreg [dreg:$0x2];
	[bflag:$0x3] =	sbarrier.arrive $0xFFFF;
	s2 =	simm.s32 @!p0 $0x1C02  }
0x1da: {  	[timem:s3], [sflag:s2] =	dma.local @!p0 [hbm:s0], s1  }
0x1db: {  	s0 =	simm.s32 @!p0 $0x2  }
0x1dc: {  	_ =	swait.ge @!p0 [sflag:s0], s1  }
0x1dd: {  	s1 =	ssub.s32 @!p0 $0x0, s1;
	[sflag:s0] =	ssyncset.done @!p0 $0x0  }
0x1de: {  	[sflag:s0] =	ssyncadd.s32 @!p0 s1  }
0x1df: {  	[bflag:$0x3] =	sbarrier.arrive $0xFFFF  }
0x1e0: {  	_ =	shalt  }

</sc_bundles>
